<compile_context>
chip_gen: v7x
topology: tpu7x:2x2x1
jax: 0.10.2.dev20260603
libtpu: 0.0.44.dev20260713+nightly
codegen_flags: <defaults>
</compile_context>

<pallas_src>
import functools

import jax
import jax.numpy as jnp
from jax import lax
from jax.experimental import pallas as pl
from jax.experimental.pallas import tpu as pltpu
from jax.experimental.pallas import tpu_sc as plsc

VOCAB = 1000000
DIM = 32
BATCH = 16384
FIELDS = 26

TOTAL = BATCH * FIELDS
CHUNK = 128
NCHUNKS = TOTAL // CHUNK
PACK = 128 // DIM
VPACK = VOCAB // PACK


def _tc_pack_table(table_t):
    sub = 256
    nsub = 32
    vb = sub * nsub
    grid = (VOCAB + vb - 1) // vb

    def body(t_ref, o_ref):
        k_io = lax.broadcasted_iota(jnp.int32, (sub // PACK, sub), 0)
        r_io = lax.broadcasted_iota(jnp.int32, (sub // PACK, sub), 1)
        qbig = jnp.where(r_io // PACK == k_io, 1.0, 0.0).astype(jnp.float32)
        lane = lax.broadcasted_iota(jnp.int32, (DIM, sub), 1)
        masks = [(lane % PACK == c).astype(jnp.float32) for c in range(PACK)]
        for s in range(nsub):
            tts = t_ref[:, s * sub:(s + 1) * sub]
            tt4 = jnp.concatenate([tts * m for m in masks], axis=0)
            o = lax.dot_general(qbig, tt4, (((1,), (1,)), ((), ())),
                                preferred_element_type=jnp.float32)
            o_ref[s * (sub // PACK):(s + 1) * (sub // PACK), :] = o

    return pl.pallas_call(
        body,
        grid=(grid,),
        in_specs=[pl.BlockSpec((DIM, vb), lambda i: (0, i))],
        out_specs=pl.BlockSpec((vb // PACK, 128), lambda i: (i, 0)),
        out_shape=jax.ShapeDtypeStruct((VPACK, 128), jnp.float32),
    )(table_t)


def _sc_gather(table, idx2d, *, chunks_per_worker):
    mesh = plsc.VectorSubcoreMesh(core_axis_name="c", subcore_axis_name="s")

    @functools.partial(
        pl.kernel,
        mesh=mesh,
        compiler_params=pltpu.CompilerParams(use_tc_tiling_on_sc=False),
        out_type=jax.ShapeDtypeStruct((NCHUNKS, CHUNK, DIM), jnp.float32),
        scratch_types=[
            pltpu.VMEM((chunks_per_worker, CHUNK), jnp.int32),
            pltpu.VMEM((CHUNK, DIM), jnp.float32),
            pltpu.VMEM((CHUNK, DIM), jnp.float32),
            pltpu.SemaphoreType.DMA,
            pltpu.SemaphoreType.DMA,
            pltpu.SemaphoreType.DMA,
            pltpu.SemaphoreType.DMA,
        ],
    )
    def k(table_hbm, idx_hbm, out_hbm, idx_v, buf0, buf1,
          gsem0, gsem1, wsem0, wsem1):
        nc = 2
        wid = lax.axis_index("s") * nc + lax.axis_index("c")
        chunk_base = wid * chunks_per_worker
        pltpu.sync_copy(idx_hbm.at[pl.ds(chunk_base, chunks_per_worker)], idx_v)

        bufs = (buf0, buf1)
        gsems = (gsem0, gsem1)
        wsems = (wsem0, wsem1)

        pltpu.async_copy(table_hbm.at[idx_v.at[0]], buf0, gsem0)

        def body(j, carry):
            del carry

            @pl.when(j + 1 < chunks_per_worker)
            def _():
                for par in range(2):
                    @pl.when((j + 1) % 2 == par)
                    def _():
                        pltpu.async_copy(
                            table_hbm.at[idx_v.at[j + 1]], bufs[par], gsems[par]
                        )

            for par in range(2):
                @pl.when(j % 2 == par)
                def _():
                    pltpu.make_async_copy(
                        table_hbm.at[idx_v.at[j]], bufs[par], gsems[par]
                    ).wait()

                    @pl.when(j >= 2)
                    def _():
                        pltpu.make_async_copy(
                            bufs[par], out_hbm.at[0], wsems[par]
                        ).wait()

                    pltpu.async_copy(
                        bufs[par], out_hbm.at[chunk_base + j], wsems[par]
                    )
            return 0

        lax.fori_loop(0, chunks_per_worker, body, 0)

        for par in range(2):
            pltpu.make_async_copy(bufs[par], out_hbm.at[0], wsems[par]).wait()

    return k(table, idx2d)


def _tc_out(emb_pk, w, b2d):
    bblk = 4096
    nb = BATCH // bblk
    rblk = bblk // PACK

    def body(e_ref, w4_ref, b_ref, o_ref):
        z = lax.dot_general(w4_ref[...], e_ref[...], (((1,), (1,)), ((), ())),
                            preferred_element_type=jnp.float32)
        z = jnp.maximum(z + b_ref[...][:, 0:1], 0.0)
        for c in range(PACK):
            o_ref[0, :, c * rblk:(c + 1) * rblk] = z[DIM * c:DIM * (c + 1), :]

    return pl.pallas_call(
        body,
        grid=(FIELDS, nb),
        in_specs=[
            pl.BlockSpec((rblk, 128), lambda f, ib: (f * nb + ib, 0)),
            pl.BlockSpec((128, 128), lambda f, ib: (0, 0)),
            pl.BlockSpec((128, 128), lambda f, ib: (0, 0)),
        ],
        out_specs=pl.BlockSpec((1, DIM, bblk), lambda f, ib: (f, 0, ib)),
        out_shape=jax.ShapeDtypeStruct((FIELDS, DIM, BATCH), jnp.float32),
    )(emb_pk, w, b2d)


def kernel(x, table, W, b):
    num_workers = 32
    chunks_per_worker = NCHUNKS // num_workers
    xt4 = x.T.reshape(FIELDS, BATCH // 4096, PACK, 1024).astype(jnp.int32)
    idx2d = xt4.transpose(0, 1, 3, 2).reshape(NCHUNKS, CHUNK)
    t128 = _tc_pack_table(table.T)
    table_lin = t128.reshape(VOCAB, DIM)
    emb3 = _sc_gather(table_lin, idx2d, chunks_per_worker=chunks_per_worker)
    emb_pk = emb3.reshape(TOTAL // PACK, 128)
    w4 = jnp.kron(jnp.eye(PACK, dtype=W.dtype), W)
    b4c = jnp.tile(jnp.tile(b, PACK).reshape(128, 1), (1, 128))
    out3 = _tc_out(emb_pk, w4, b4c)
    return out3.transpose(2, 0, 1)

# --- scband reference (transcript-rebuilt; emitter-appended) ---
"""Pipeline reference for scband-category-embedding-net-91147795956342 (READ-ONLY COPY).

The authoritative reference and input builder live on the scoring server;
editing this copy changes nothing except your own understanding.
"""

import jax, jax.numpy as jnp
import numpy as np

VOCAB = 1000000
DIM = 32
BATCH = 16384
FIELDS = 26

def setup_inputs(seed: int = 0) -> dict:
    key = jax.random.key(seed)
    k_idx, k_tab, k_w, k_b = jax.random.split(key, 4)
    x = jax.random.randint(k_idx, (BATCH, FIELDS), 0, VOCAB, dtype=jnp.int64) if jax.config.jax_enable_x64 else jax.random.randint(k_idx, (BATCH, FIELDS), 0, VOCAB, dtype=jnp.int32)
    table = jax.random.normal(k_tab, (VOCAB, DIM), dtype=jnp.float32)
    W = jax.random.normal(k_w, (DIM, DIM), dtype=jnp.float32) * (1.0 / np.sqrt(DIM))
    b = jax.random.normal(k_b, (DIM,), dtype=jnp.float32) * 0.01
    return {"x": x, "table": table, "W": W, "b": b}

def reference(x, table, W, b):
    # nn.Embedding: gather rows
    emb = jnp.take(table, x, axis=0)  # [B, F, DIM]
    # nn.Linear(output_dim, output_dim): y = emb @ W.T + b
    y = jnp.einsum('bfd,od->bfo', emb, W) + b
    # ReLU
    y = jnp.maximum(y, 0.0)
    # Dropout(0.1) in eval mode -> identity
    return y

if __name__ == "__main__":
    import jax
    _d = setup_inputs()
    print(jax.jit(kernel)(*tuple(_d.values())))

</pallas_src>

<mosaic_0001>
#map = affine_map<(d0, d1) -> (0, 0)>
#map1 = affine_map<(d0, d1) -> (0, 0, 0)>
module attributes {stable_mosaic.version = 14 : i64} {
  func.func @k(%arg0: i32, %arg1: i32, %arg2: memref<1000000x32xf32, #tpu.memory_space<hbm>>, %arg3: memref<3328x128xi32, #tpu.memory_space<hbm>>, %arg4: memref<3328x128x32xf32, #tpu.memory_space<hbm>>, %arg5: memref<104x128xi32, #tpu.memory_space<vmem>>, %arg6: memref<128x32xf32, #tpu.memory_space<vmem>>, %arg7: memref<128x32xf32, #tpu.memory_space<vmem>>, %arg8: memref<!tpu.dma_semaphore, #tpu.memory_space<semaphore_mem>>, %arg9: memref<!tpu.dma_semaphore, #tpu.memory_space<semaphore_mem>>, %arg10: memref<!tpu.dma_semaphore, #tpu.memory_space<semaphore_mem>>, %arg11: memref<!tpu.dma_semaphore, #tpu.memory_space<semaphore_mem>>) attributes {dimension_semantics = [#tpu.dimension_semantics<core_parallel>, #tpu.dimension_semantics<subcore_parallel>], iteration_bounds = array<i64: 2, 16>, scalar_prefetch = 0 : i64, scratch_operands = 7 : i64, tpu.core_type = #tpu.core_type<sc_vector_subcore>, window_params = [{transform_indices = #map}, {transform_indices = #map}, {transform_indices = #map1}]} {
    %mul3A = arith.constant 2 : i32
    %mul3A_0 = arith.muli %arg1, %mul3A : i32
    %add3A = arith.addi %mul3A_0, %arg0 : i32
    %mul3A_1 = arith.constant 104 : i32
    %mul3A_2 = arith.muli %add3A, %mul3A_1 : i32
    "tpu.region"() ({
      %run_scoped3A = tpu.sem_alloc : memref<!tpu.dma_semaphore, #tpu.memory_space<semaphore_mem>>
      %dma_start3A_32 = arith.constant 0 : i32
      %dma_start3A_33 = tpu.memref_slice %arg3[%mul3A_2, %dma_start3A_32] : memref<3328x128xi32, #tpu.memory_space<hbm>> -> memref<104x128xi32, #tpu.memory_space<hbm>>
      %dma_start3A_34 = arith.constant 0 : i32
      %dma_start3A_35 = tpu.memref_slice %arg3[%mul3A_2, %dma_start3A_34] : memref<3328x128xi32, #tpu.memory_space<hbm>> -> memref<104x128xi32, #tpu.memory_space<hbm>>
      tpu.enqueue_dma source(%dma_start3A_35 : memref<104x128xi32, #tpu.memory_space<hbm>>) target(%arg5 : memref<104x128xi32, #tpu.memory_space<vmem>>) target_semaphore(%run_scoped3A : memref<!tpu.dma_semaphore, #tpu.memory_space<semaphore_mem>>)
      %dma_wait3A_36 = arith.constant 0 : i32
      %dma_wait3A_37 = tpu.memref_slice %arg3[%mul3A_2, %dma_wait3A_36] : memref<3328x128xi32, #tpu.memory_space<hbm>> -> memref<104x128xi32, #tpu.memory_space<hbm>>
      %dma_wait3A_38 = arith.constant 0 : i32
      %dma_wait3A_39 = tpu.memref_slice %arg3[%mul3A_2, %dma_wait3A_38] : memref<3328x128xi32, #tpu.memory_space<hbm>> -> memref<104x128xi32, #tpu.memory_space<hbm>>
      tpu.wait_dma2 semaphore(%run_scoped3A : memref<!tpu.dma_semaphore, #tpu.memory_space<semaphore_mem>>) src(%dma_wait3A_39 : memref<104x128xi32, #tpu.memory_space<hbm>>) dst(%arg5 : memref<104x128xi32, #tpu.memory_space<vmem>>)
      tpu.yield
    }) : () -> ()
    %dma_start3A = arith.constant 0 : i32
    %dma_start3A_3 = arith.constant 0 : i32
    %dma_start3A_4 = tpu.memref_slice %arg5[%dma_start3A, %dma_start3A_3] : memref<104x128xi32, #tpu.memory_space<vmem>> -> memref<1x128xi32, #tpu.memory_space<vmem>>
    %dma_start3A_5 = tpu.memref_squeeze %dma_start3A_4 : memref<1x128xi32, #tpu.memory_space<vmem>> -> memref<128xi32, #tpu.memory_space<vmem>>
    %dma_start3A_6 = arith.constant 0 : i32
    %dma_start3A_7 = arith.constant 0 : i32
    %dma_start3A_8 = tpu.memref_slice %arg2[%dma_start3A_6, %dma_start3A_7] : memref<1000000x32xf32, #tpu.memory_space<hbm>> -> memref<1000000x32xf32, #tpu.memory_space<hbm>>
    tpu.enqueue_indirect_dma source(%dma_start3A_8 : memref<1000000x32xf32, #tpu.memory_space<hbm>>) target(%arg6 : memref<128x32xf32, #tpu.memory_space<vmem>>) offsets(%dma_start3A_5 : memref<128xi32, #tpu.memory_space<vmem>>) semaphore(%arg8 : memref<!tpu.dma_semaphore, #tpu.memory_space<semaphore_mem>>)
    %scan3A = arith.constant 0 : i32
    %scan3A_9 = arith.constant 0 : i32
    %scan3A_10 = arith.constant 104 : i32
    %scan3A_11 = arith.addi %scan3A_9, %scan3A_10 : i32
    %scan3A_12 = arith.constant 1 : i32
    %scan3A_13 = scf.for %scan3A_32 = %scan3A_9 to %scan3A_11 step %scan3A_12 iter_args(%scan3A_33 = %scan3A) -> (i32)  : i32 {
      %add3A_34 = arith.constant 1 : i32
      %add3A_35 = arith.addi %scan3A_32, %add3A_34 : i32
      %lt3A = arith.constant 104 : i32
      %lt3A_36 = arith.cmpi slt, %add3A_35, %lt3A : i32
      %convert_element_type3A = arith.extui %lt3A_36 : i1 to i32
      %cond3A = arith.constant 0 : i32
      %cond3A_37 = arith.cmpi ne, %convert_element_type3A, %cond3A : i32
      scf.if %cond3A_37 {
        %add3A_75 = arith.constant 1 : i32
        %add3A_76 = arith.addi %scan3A_32, %add3A_75 : i32
        %jit3A_77 = arith.constant 2 : i32
        %eq3A_78 = arith.constant 0 : i32
        %eq3A_79 = arith.cmpi eq, %jit3A_77, %eq3A_78 : i32
        %jit3A_80 = arith.constant 1 : i32
        %select_n3A_81 = arith.select %eq3A_79, %jit3A_80, %jit3A_77 : i32
        %rem3A_82 = arith.remsi %add3A_76, %select_n3A_81 : i32
        %ne3A_83 = arith.constant 0 : i32
        %ne3A_84 = arith.cmpi ne, %rem3A_82, %ne3A_83 : i32
        %lt3A_85 = arith.constant 0 : i32
        %lt3A_86 = arith.cmpi slt, %rem3A_82, %lt3A_85 : i32
        %lt3A_87 = arith.constant 0 : i32
        %lt3A_88 = arith.cmpi slt, %select_n3A_81, %lt3A_87 : i32
        %ne3A_89 = arith.xori %lt3A_86, %lt3A_88 : i1
        %and3A_90 = arith.andi %ne3A_89, %ne3A_84 : i1
        %add3A_91 = arith.addi %rem3A_82, %select_n3A_81 : i32
        %select_n3A_92 = arith.select %and3A_90, %add3A_91, %rem3A_82 : i32
        %eq3A_93 = arith.constant 0 : i32
        %eq3A_94 = arith.cmpi eq, %select_n3A_92, %eq3A_93 : i32
        %convert_element_type3A_95 = arith.extui %eq3A_94 : i1 to i32
        %cond3A_96 = arith.constant 0 : i32
        %cond3A_97 = arith.cmpi ne, %convert_element_type3A_95, %cond3A_96 : i32
        scf.if %cond3A_97 {
          %add3A_121 = arith.constant 1 : i32
          %add3A_122 = arith.addi %scan3A_32, %add3A_121 : i32
          %dma_start3A_123 = arith.constant 0 : i32
          %dma_start3A_124 = tpu.memref_slice %arg5[%add3A_122, %dma_start3A_123] : memref<104x128xi32, #tpu.memory_space<vmem>> -> memref<1x128xi32, #tpu.memory_space<vmem>>
          %dma_start3A_125 = tpu.memref_squeeze %dma_start3A_124 : memref<1x128xi32, #tpu.memory_space<vmem>> -> memref<128xi32, #tpu.memory_space<vmem>>
          %dma_start3A_126 = arith.constant 0 : i32
          %dma_start3A_127 = arith.constant 0 : i32
          %dma_start3A_128 = tpu.memref_slice %arg2[%dma_start3A_126, %dma_start3A_127] : memref<1000000x32xf32, #tpu.memory_space<hbm>> -> memref<1000000x32xf32, #tpu.memory_space<hbm>>
          tpu.enqueue_indirect_dma source(%dma_start3A_128 : memref<1000000x32xf32, #tpu.memory_space<hbm>>) target(%arg6 : memref<128x32xf32, #tpu.memory_space<vmem>>) offsets(%dma_start3A_125 : memref<128xi32, #tpu.memory_space<vmem>>) semaphore(%arg8 : memref<!tpu.dma_semaphore, #tpu.memory_space<semaphore_mem>>)
        } else {
        }
        %add3A_98 = arith.constant 1 : i32
        %add3A_99 = arith.addi %scan3A_32, %add3A_98 : i32
        %jit3A_100 = arith.constant 2 : i32
        %eq3A_101 = arith.constant 0 : i32
        %eq3A_102 = arith.cmpi eq, %jit3A_100, %eq3A_101 : i32
        %jit3A_103 = arith.constant 1 : i32
        %select_n3A_104 = arith.select %eq3A_102, %jit3A_103, %jit3A_100 : i32
        %rem3A_105 = arith.remsi %add3A_99, %select_n3A_104 : i32
        %ne3A_106 = arith.constant 0 : i32
        %ne3A_107 = arith.cmpi ne, %rem3A_105, %ne3A_106 : i32
        %lt3A_108 = arith.constant 0 : i32
        %lt3A_109 = arith.cmpi slt, %rem3A_105, %lt3A_108 : i32
        %lt3A_110 = arith.constant 0 : i32
        %lt3A_111 = arith.cmpi slt, %select_n3A_104, %lt3A_110 : i32
        %ne3A_112 = arith.xori %lt3A_109, %lt3A_111 : i1
        %and3A_113 = arith.andi %ne3A_112, %ne3A_107 : i1
        %add3A_114 = arith.addi %rem3A_105, %select_n3A_104 : i32
        %select_n3A_115 = arith.select %and3A_113, %add3A_114, %rem3A_105 : i32
        %eq3A_116 = arith.constant 1 : i32
        %eq3A_117 = arith.cmpi eq, %select_n3A_115, %eq3A_116 : i32
        %convert_element_type3A_118 = arith.extui %eq3A_117 : i1 to i32
        %cond3A_119 = arith.constant 0 : i32
        %cond3A_120 = arith.cmpi ne, %convert_element_type3A_118, %cond3A_119 : i32
        scf.if %cond3A_120 {
          %add3A_121 = arith.constant 1 : i32
          %add3A_122 = arith.addi %scan3A_32, %add3A_121 : i32
          %dma_start3A_123 = arith.constant 0 : i32
          %dma_start3A_124 = tpu.memref_slice %arg5[%add3A_122, %dma_start3A_123] : memref<104x128xi32, #tpu.memory_space<vmem>> -> memref<1x128xi32, #tpu.memory_space<vmem>>
          %dma_start3A_125 = tpu.memref_squeeze %dma_start3A_124 : memref<1x128xi32, #tpu.memory_space<vmem>> -> memref<128xi32, #tpu.memory_space<vmem>>
          %dma_start3A_126 = arith.constant 0 : i32
          %dma_start3A_127 = arith.constant 0 : i32
          %dma_start3A_128 = tpu.memref_slice %arg2[%dma_start3A_126, %dma_start3A_127] : memref<1000000x32xf32, #tpu.memory_space<hbm>> -> memref<1000000x32xf32, #tpu.memory_space<hbm>>
          tpu.enqueue_indirect_dma source(%dma_start3A_128 : memref<1000000x32xf32, #tpu.memory_space<hbm>>) target(%arg7 : memref<128x32xf32, #tpu.memory_space<vmem>>) offsets(%dma_start3A_125 : memref<128xi32, #tpu.memory_space<vmem>>) semaphore(%arg9 : memref<!tpu.dma_semaphore, #tpu.memory_space<semaphore_mem>>)
        } else {
        }
      } else {
      }
      %jit3A = arith.constant 2 : i32
      %eq3A = arith.constant 0 : i32
      %eq3A_38 = arith.cmpi eq, %jit3A, %eq3A : i32
      %jit3A_39 = arith.constant 1 : i32
      %select_n3A = arith.select %eq3A_38, %jit3A_39, %jit3A : i32
      %rem3A = arith.remsi %scan3A_32, %select_n3A : i32
      %ne3A = arith.constant 0 : i32
      %ne3A_40 = arith.cmpi ne, %rem3A, %ne3A : i32
      %lt3A_41 = arith.constant 0 : i32
      %lt3A_42 = arith.cmpi slt, %rem3A, %lt3A_41 : i32
      %lt3A_43 = arith.constant 0 : i32
      %lt3A_44 = arith.cmpi slt, %select_n3A, %lt3A_43 : i32
      %ne3A_45 = arith.xori %lt3A_42, %lt3A_44 : i1
      %and3A = arith.andi %ne3A_45, %ne3A_40 : i1
      %add3A_46 = arith.addi %rem3A, %select_n3A : i32
      %select_n3A_47 = arith.select %and3A, %add3A_46, %rem3A : i32
      %eq3A_48 = arith.constant 0 : i32
      %eq3A_49 = arith.cmpi eq, %select_n3A_47, %eq3A_48 : i32
      %convert_element_type3A_50 = arith.extui %eq3A_49 : i1 to i32
      %cond3A_51 = arith.constant 0 : i32
      %cond3A_52 = arith.cmpi ne, %convert_element_type3A_50, %cond3A_51 : i32
      scf.if %cond3A_52 {
        %dma_wait3A_75 = arith.constant 0 : i32
        %dma_wait3A_76 = tpu.memref_slice %arg5[%scan3A_32, %dma_wait3A_75] : memref<104x128xi32, #tpu.memory_space<vmem>> -> memref<1x128xi32, #tpu.memory_space<vmem>>
        %dma_wait3A_77 = tpu.memref_squeeze %dma_wait3A_76 : memref<1x128xi32, #tpu.memory_space<vmem>> -> memref<128xi32, #tpu.memory_space<vmem>>
        %dma_wait3A_78 = arith.constant 0 : i32
        %dma_wait3A_79 = arith.constant 0 : i32
        %dma_wait3A_80 = tpu.memref_slice %arg2[%dma_wait3A_78, %dma_wait3A_79] : memref<1000000x32xf32, #tpu.memory_space<hbm>> -> memref<1000000x32xf32, #tpu.memory_space<hbm>>
        tpu.wait_indirect_dma semaphore(%arg8 : memref<!tpu.dma_semaphore, #tpu.memory_space<semaphore_mem>>) src(%dma_wait3A_80 : memref<1000000x32xf32, #tpu.memory_space<hbm>>) dst(%arg6 : memref<128x32xf32, #tpu.memory_space<vmem>>)
        %ge3A = arith.constant 2 : i32
        %ge3A_81 = arith.cmpi sge, %scan3A_32, %ge3A : i32
        %convert_element_type3A_82 = arith.extui %ge3A_81 : i1 to i32
        %cond3A_83 = arith.constant 0 : i32
        %cond3A_84 = arith.cmpi ne, %convert_element_type3A_82, %cond3A_83 : i32
        scf.if %cond3A_84 {
          %dma_wait3A_94 = arith.constant 0 : i32
          %dma_wait3A_95 = arith.constant 0 : i32
          %dma_wait3A_96 = arith.constant 0 : i32
          %dma_wait3A_97 = tpu.memref_slice %arg4[%dma_wait3A_94, %dma_wait3A_95, %dma_wait3A_96] : memref<3328x128x32xf32, #tpu.memory_space<hbm>> -> memref<1x128x32xf32, #tpu.memory_space<hbm>>
          %dma_wait3A_98 = tpu.memref_squeeze %dma_wait3A_97 : memref<1x128x32xf32, #tpu.memory_space<hbm>> -> memref<128x32xf32, #tpu.memory_space<hbm>>
          %dma_wait3A_99 = arith.constant 0 : i32
          %dma_wait3A_100 = arith.constant 0 : i32
          %dma_wait3A_101 = tpu.memref_slice %arg4[%dma_wait3A_94, %dma_wait3A_99, %dma_wait3A_100] : memref<3328x128x32xf32, #tpu.memory_space<hbm>> -> memref<1x128x32xf32, #tpu.memory_space<hbm>>
          %dma_wait3A_102 = tpu.memref_squeeze %dma_wait3A_101 : memref<1x128x32xf32, #tpu.memory_space<hbm>> -> memref<128x32xf32, #tpu.memory_space<hbm>>
          tpu.wait_dma2 semaphore(%arg10 : memref<!tpu.dma_semaphore, #tpu.memory_space<semaphore_mem>>) src(%arg6 : memref<128x32xf32, #tpu.memory_space<vmem>>) dst(%dma_wait3A_102 : memref<128x32xf32, #tpu.memory_space<hbm>>)
        } else {
        }
        %add3A_85 = arith.addi %mul3A_2, %scan3A_32 : i32
        %dma_start3A_86 = arith.constant 0 : i32
        %dma_start3A_87 = arith.constant 0 : i32
        %dma_start3A_88 = tpu.memref_slice %arg4[%add3A_85, %dma_start3A_86, %dma_start3A_87] : memref<3328x128x32xf32, #tpu.memory_space<hbm>> -> memref<1x128x32xf32, #tpu.memory_space<hbm>>
        %dma_start3A_89 = tpu.memref_squeeze %dma_start3A_88 : memref<1x128x32xf32, #tpu.memory_space<hbm>> -> memref<128x32xf32, #tpu.memory_space<hbm>>
        %dma_start3A_90 = arith.constant 0 : i32
        %dma_start3A_91 = arith.constant 0 : i32
        %dma_start3A_92 = tpu.memref_slice %arg4[%add3A_85, %dma_start3A_90, %dma_start3A_91] : memref<3328x128x32xf32, #tpu.memory_space<hbm>> -> memref<1x128x32xf32, #tpu.memory_space<hbm>>
        %dma_start3A_93 = tpu.memref_squeeze %dma_start3A_92 : memref<1x128x32xf32, #tpu.memory_space<hbm>> -> memref<128x32xf32, #tpu.memory_space<hbm>>
        tpu.enqueue_dma source(%arg6 : memref<128x32xf32, #tpu.memory_space<vmem>>) target(%dma_start3A_93 : memref<128x32xf32, #tpu.memory_space<hbm>>) target_semaphore(%arg10 : memref<!tpu.dma_semaphore, #tpu.memory_space<semaphore_mem>>)
      } else {
      }
      %jit3A_53 = arith.constant 2 : i32
      %eq3A_54 = arith.constant 0 : i32
      %eq3A_55 = arith.cmpi eq, %jit3A_53, %eq3A_54 : i32
      %jit3A_56 = arith.constant 1 : i32
      %select_n3A_57 = arith.select %eq3A_55, %jit3A_56, %jit3A_53 : i32
      %rem3A_58 = arith.remsi %scan3A_32, %select_n3A_57 : i32
      %ne3A_59 = arith.constant 0 : i32
      %ne3A_60 = arith.cmpi ne, %rem3A_58, %ne3A_59 : i32
      %lt3A_61 = arith.constant 0 : i32
      %lt3A_62 = arith.cmpi slt, %rem3A_58, %lt3A_61 : i32
      %lt3A_63 = arith.constant 0 : i32
      %lt3A_64 = arith.cmpi slt, %select_n3A_57, %lt3A_63 : i32
      %ne3A_65 = arith.xori %lt3A_62, %lt3A_64 : i1
      %and3A_66 = arith.andi %ne3A_65, %ne3A_60 : i1
      %add3A_67 = arith.addi %rem3A_58, %select_n3A_57 : i32
      %select_n3A_68 = arith.select %and3A_66, %add3A_67, %rem3A_58 : i32
      %eq3A_69 = arith.constant 1 : i32
      %eq3A_70 = arith.cmpi eq, %select_n3A_68, %eq3A_69 : i32
      %convert_element_type3A_71 = arith.extui %eq3A_70 : i1 to i32
      %cond3A_72 = arith.constant 0 : i32
      %cond3A_73 = arith.cmpi ne, %convert_element_type3A_71, %cond3A_72 : i32
      scf.if %cond3A_73 {
        %dma_wait3A_75 = arith.constant 0 : i32
        %dma_wait3A_76 = tpu.memref_slice %arg5[%scan3A_32, %dma_wait3A_75] : memref<104x128xi32, #tpu.memory_space<vmem>> -> memref<1x128xi32, #tpu.memory_space<vmem>>
        %dma_wait3A_77 = tpu.memref_squeeze %dma_wait3A_76 : memref<1x128xi32, #tpu.memory_space<vmem>> -> memref<128xi32, #tpu.memory_space<vmem>>
        %dma_wait3A_78 = arith.constant 0 : i32
        %dma_wait3A_79 = arith.constant 0 : i32
        %dma_wait3A_80 = tpu.memref_slice %arg2[%dma_wait3A_78, %dma_wait3A_79] : memref<1000000x32xf32, #tpu.memory_space<hbm>> -> memref<1000000x32xf32, #tpu.memory_space<hbm>>
        tpu.wait_indirect_dma semaphore(%arg9 : memref<!tpu.dma_semaphore, #tpu.memory_space<semaphore_mem>>) src(%dma_wait3A_80 : memref<1000000x32xf32, #tpu.memory_space<hbm>>) dst(%arg7 : memref<128x32xf32, #tpu.memory_space<vmem>>)
        %ge3A = arith.constant 2 : i32
        %ge3A_81 = arith.cmpi sge, %scan3A_32, %ge3A : i32
        %convert_element_type3A_82 = arith.extui %ge3A_81 : i1 to i32
        %cond3A_83 = arith.constant 0 : i32
        %cond3A_84 = arith.cmpi ne, %convert_element_type3A_82, %cond3A_83 : i32
        scf.if %cond3A_84 {
          %dma_wait3A_94 = arith.constant 0 : i32
          %dma_wait3A_95 = arith.constant 0 : i32
          %dma_wait3A_96 = arith.constant 0 : i32
          %dma_wait3A_97 = tpu.memref_slice %arg4[%dma_wait3A_94, %dma_wait3A_95, %dma_wait3A_96] : memref<3328x128x32xf32, #tpu.memory_space<hbm>> -> memref<1x128x32xf32, #tpu.memory_space<hbm>>
          %dma_wait3A_98 = tpu.memref_squeeze %dma_wait3A_97 : memref<1x128x32xf32, #tpu.memory_space<hbm>> -> memref<128x32xf32, #tpu.memory_space<hbm>>
          %dma_wait3A_99 = arith.constant 0 : i32
          %dma_wait3A_100 = arith.constant 0 : i32
          %dma_wait3A_101 = tpu.memref_slice %arg4[%dma_wait3A_94, %dma_wait3A_99, %dma_wait3A_100] : memref<3328x128x32xf32, #tpu.memory_space<hbm>> -> memref<1x128x32xf32, #tpu.memory_space<hbm>>
          %dma_wait3A_102 = tpu.memref_squeeze %dma_wait3A_101 : memref<1x128x32xf32, #tpu.memory_space<hbm>> -> memref<128x32xf32, #tpu.memory_space<hbm>>
          tpu.wait_dma2 semaphore(%arg11 : memref<!tpu.dma_semaphore, #tpu.memory_space<semaphore_mem>>) src(%arg7 : memref<128x32xf32, #tpu.memory_space<vmem>>) dst(%dma_wait3A_102 : memref<128x32xf32, #tpu.memory_space<hbm>>)
        } else {
        }
        %add3A_85 = arith.addi %mul3A_2, %scan3A_32 : i32
        %dma_start3A_86 = arith.constant 0 : i32
        %dma_start3A_87 = arith.constant 0 : i32
        %dma_start3A_88 = tpu.memref_slice %arg4[%add3A_85, %dma_start3A_86, %dma_start3A_87] : memref<3328x128x32xf32, #tpu.memory_space<hbm>> -> memref<1x128x32xf32, #tpu.memory_space<hbm>>
        %dma_start3A_89 = tpu.memref_squeeze %dma_start3A_88 : memref<1x128x32xf32, #tpu.memory_space<hbm>> -> memref<128x32xf32, #tpu.memory_space<hbm>>
        %dma_start3A_90 = arith.constant 0 : i32
        %dma_start3A_91 = arith.constant 0 : i32
        %dma_start3A_92 = tpu.memref_slice %arg4[%add3A_85, %dma_start3A_90, %dma_start3A_91] : memref<3328x128x32xf32, #tpu.memory_space<hbm>> -> memref<1x128x32xf32, #tpu.memory_space<hbm>>
        %dma_start3A_93 = tpu.memref_squeeze %dma_start3A_92 : memref<1x128x32xf32, #tpu.memory_space<hbm>> -> memref<128x32xf32, #tpu.memory_space<hbm>>
        tpu.enqueue_dma source(%arg7 : memref<128x32xf32, #tpu.memory_space<vmem>>) target(%dma_start3A_93 : memref<128x32xf32, #tpu.memory_space<hbm>>) target_semaphore(%arg11 : memref<!tpu.dma_semaphore, #tpu.memory_space<semaphore_mem>>)
      } else {
      }
      %scan3A_74 = arith.constant 0 : i32
      scf.yield %scan3A_74 : i32
    }
    %scan3A_14 = arith.constant 104 : i32
    %dma_wait3A = arith.constant 0 : i32
    %dma_wait3A_15 = arith.constant 0 : i32
    %dma_wait3A_16 = arith.constant 0 : i32
    %dma_wait3A_17 = tpu.memref_slice %arg4[%dma_wait3A, %dma_wait3A_15, %dma_wait3A_16] : memref<3328x128x32xf32, #tpu.memory_space<hbm>> -> memref<1x128x32xf32, #tpu.memory_space<hbm>>
    %dma_wait3A_18 = tpu.memref_squeeze %dma_wait3A_17 : memref<1x128x32xf32, #tpu.memory_space<hbm>> -> memref<128x32xf32, #tpu.memory_space<hbm>>
    %dma_wait3A_19 = arith.constant 0 : i32
    %dma_wait3A_20 = arith.constant 0 : i32
    %dma_wait3A_21 = tpu.memref_slice %arg4[%dma_wait3A, %dma_wait3A_19, %dma_wait3A_20] : memref<3328x128x32xf32, #tpu.memory_space<hbm>> -> memref<1x128x32xf32, #tpu.memory_space<hbm>>
    %dma_wait3A_22 = tpu.memref_squeeze %dma_wait3A_21 : memref<1x128x32xf32, #tpu.memory_space<hbm>> -> memref<128x32xf32, #tpu.memory_space<hbm>>
    tpu.wait_dma2 semaphore(%arg10 : memref<!tpu.dma_semaphore, #tpu.memory_space<semaphore_mem>>) src(%arg6 : memref<128x32xf32, #tpu.memory_space<vmem>>) dst(%dma_wait3A_22 : memref<128x32xf32, #tpu.memory_space<hbm>>)
    %dma_wait3A_23 = arith.constant 0 : i32
    %dma_wait3A_24 = arith.constant 0 : i32
    %dma_wait3A_25 = arith.constant 0 : i32
    %dma_wait3A_26 = tpu.memref_slice %arg4[%dma_wait3A_23, %dma_wait3A_24, %dma_wait3A_25] : memref<3328x128x32xf32, #tpu.memory_space<hbm>> -> memref<1x128x32xf32, #tpu.memory_space<hbm>>
    %dma_wait3A_27 = tpu.memref_squeeze %dma_wait3A_26 : memref<1x128x32xf32, #tpu.memory_space<hbm>> -> memref<128x32xf32, #tpu.memory_space<hbm>>
    %dma_wait3A_28 = arith.constant 0 : i32
    %dma_wait3A_29 = arith.constant 0 : i32
    %dma_wait3A_30 = tpu.memref_slice %arg4[%dma_wait3A_23, %dma_wait3A_28, %dma_wait3A_29] : memref<3328x128x32xf32, #tpu.memory_space<hbm>> -> memref<1x128x32xf32, #tpu.memory_space<hbm>>
    %dma_wait3A_31 = tpu.memref_squeeze %dma_wait3A_30 : memref<1x128x32xf32, #tpu.memory_space<hbm>> -> memref<128x32xf32, #tpu.memory_space<hbm>>
    tpu.wait_dma2 semaphore(%arg11 : memref<!tpu.dma_semaphore, #tpu.memory_space<semaphore_mem>>) src(%arg7 : memref<128x32xf32, #tpu.memory_space<vmem>>) dst(%dma_wait3A_31 : memref<128x32xf32, #tpu.memory_space<hbm>>)
    return
  }
}

module attributes {stable_mosaic.version = 14 : i64} {
  func.func @body(%arg0: i32, %arg1: memref<32x8192xf32, #tpu.memory_space<vmem>>, %arg2: memref<2048x128xf32, #tpu.memory_space<vmem>>) attributes {dimension_semantics = [#tpu.dimension_semantics<arbitrary>], iteration_bounds = array<i64: 123>, scalar_prefetch = 0 : i64, scratch_operands = 0 : i64, tpu.core_type = #tpu.core_type<tc>, window_params = [{transform_indices = @transform_0, window_bounds = array<i64: 32, 8192>}, {transform_indices = @transform_1, window_bounds = array<i64: 2048, 128>}]} {
    %iota3A = tpu.iota {dimensions = array<i32: 0>} : vector<64x256xi32>
    %iota3A_0 = tpu.iota {dimensions = array<i32: 1>} : vector<64x256xi32>
    %jit3A = arith.constant 4 : i32
    %div3A = vector.broadcast %jit3A : i32 to vector<64x256xi32>
    %div3A_1 = arith.divsi %iota3A_0, %div3A : vector<64x256xi32>
    %sign3A = arith.constant 0 : i32
    %sign3A_2 = vector.broadcast %sign3A : i32 to vector<64x256xi32>
    %sign3A_3 = arith.cmpi sgt, %iota3A_0, %sign3A_2 : vector<64x256xi32>
    %sign3A_4 = arith.extui %sign3A_3 : vector<64x256xi1> to vector<64x256xi32>
    %sign3A_5 = arith.constant 0 : i32
    %sign3A_6 = vector.broadcast %sign3A_5 : i32 to vector<64x256xi32>
    %sign3A_7 = arith.cmpi slt, %iota3A_0, %sign3A_6 : vector<64x256xi32>
    %sign3A_8 = arith.extui %sign3A_7 : vector<64x256xi1> to vector<64x256xi32>
    %sign3A_9 = arith.subi %sign3A_4, %sign3A_8 : vector<64x256xi32>
    %sign3A_10 = arith.constant 0 : i32
    %sign3A_11 = arith.cmpi sgt, %jit3A, %sign3A_10 : i32
    %sign3A_12 = arith.extui %sign3A_11 : i1 to i32
    %sign3A_13 = arith.constant 0 : i32
    %sign3A_14 = arith.cmpi slt, %jit3A, %sign3A_13 : i32
    %sign3A_15 = arith.extui %sign3A_14 : i1 to i32
    %sign3A_16 = arith.subi %sign3A_12, %sign3A_15 : i32
    %ne3A = vector.broadcast %sign3A_16 : i32 to vector<64x256xi32>
    %ne3A_17 = arith.cmpi ne, %sign3A_9, %ne3A : vector<64x256xi32>
    %rem3A = vector.broadcast %jit3A : i32 to vector<64x256xi32>
    %rem3A_18 = arith.remsi %iota3A_0, %rem3A : vector<64x256xi32>
    %ne3A_19 = arith.constant 0 : i32
    %ne3A_20 = vector.broadcast %ne3A_19 : i32 to vector<64x256xi32>
    %ne3A_21 = arith.cmpi ne, %rem3A_18, %ne3A_20 : vector<64x256xi32>
    %and3A = arith.andi %ne3A_17, %ne3A_21 : vector<64x256xi1>
    %sub3A = arith.constant 1 : i32
    %sub3A_22 = vector.broadcast %sub3A : i32 to vector<64x256xi32>
    %sub3A_23 = arith.subi %div3A_1, %sub3A_22 : vector<64x256xi32>
    %select_n3A = arith.select %and3A, %sub3A_23, %div3A_1 : vector<64x256xi1>, vector<64x256xi32>
    %eq3A = arith.cmpi eq, %select_n3A, %iota3A : vector<64x256xi32>
    %jit3A_24 = arith.constant 1.000000e+00 : f32
    %jit3A_25 = arith.constant 0.000000e+00 : f32
    %broadcast_in_dim3A = vector.broadcast %jit3A_24 : f32 to vector<64x256xf32>
    %broadcast_in_dim3A_26 = vector.broadcast %jit3A_25 : f32 to vector<64x256xf32>
    %select_n3A_27 = arith.select %eq3A, %broadcast_in_dim3A, %broadcast_in_dim3A_26 : vector<64x256xi1>, vector<64x256xf32>
    %iota3A_28 = tpu.iota {dimensions = array<i32: 1>} : vector<32x256xi32>
    %jit3A_29 = arith.constant 4 : i32
    %eq3A_30 = arith.constant 0 : i32
    %eq3A_31 = arith.cmpi eq, %jit3A_29, %eq3A_30 : i32
    %jit3A_32 = arith.constant 1 : i32
    %select_n3A_33 = arith.select %eq3A_31, %jit3A_32, %jit3A_29 : i32
    %rem3A_34 = vector.broadcast %select_n3A_33 : i32 to vector<32x256xi32>
    %rem3A_35 = arith.remsi %iota3A_28, %rem3A_34 : vector<32x256xi32>
    %ne3A_36 = arith.constant 0 : i32
    %ne3A_37 = vector.broadcast %ne3A_36 : i32 to vector<32x256xi32>
    %ne3A_38 = arith.cmpi ne, %rem3A_35, %ne3A_37 : vector<32x256xi32>
    %lt3A = arith.constant 0 : i32
    %lt3A_39 = vector.broadcast %lt3A : i32 to vector<32x256xi32>
    %lt3A_40 = arith.cmpi slt, %rem3A_35, %lt3A_39 : vector<32x256xi32>
    %lt3A_41 = arith.constant 0 : i32
    %lt3A_42 = arith.cmpi slt, %select_n3A_33, %lt3A_41 : i32
    %ne3A_43 = vector.broadcast %lt3A_42 : i1 to vector<32x256xi1>
    %ne3A_44 = vector.broadcast %ne3A_43 : vector<32x256xi1> to vector<32x256xi1>
    %ne3A_45 = arith.xori %lt3A_40, %ne3A_44 : vector<32x256xi1>
    %and3A_46 = arith.andi %ne3A_45, %ne3A_38 : vector<32x256xi1>
    %add3A = vector.broadcast %select_n3A_33 : i32 to vector<32x256xi32>
    %add3A_47 = arith.addi %rem3A_35, %add3A : vector<32x256xi32>
    %select_n3A_48 = arith.select %and3A_46, %add3A_47, %rem3A_35 : vector<32x256xi1>, vector<32x256xi32>
    %eq3A_49 = arith.constant 0 : i32
    %eq3A_50 = vector.broadcast %eq3A_49 : i32 to vector<32x256xi32>
    %eq3A_51 = arith.cmpi eq, %select_n3A_48, %eq3A_50 : vector<32x256xi32>
    %convert_element_type3A = arith.extui %eq3A_51 : vector<32x256xi1> to vector<32x256xi32>
    %convert_element_type3A_52 = arith.sitofp %convert_element_type3A : vector<32x256xi32> to vector<32x256xf32>
    %jit3A_53 = arith.constant 4 : i32
    %eq3A_54 = arith.constant 0 : i32
    %eq3A_55 = arith.cmpi eq, %jit3A_53, %eq3A_54 : i32
    %jit3A_56 = arith.constant 1 : i32
    %select_n3A_57 = arith.select %eq3A_55, %jit3A_56, %jit3A_53 : i32
    %rem3A_58 = vector.broadcast %select_n3A_57 : i32 to vector<32x256xi32>
    %rem3A_59 = arith.remsi %iota3A_28, %rem3A_58 : vector<32x256xi32>
    %ne3A_60 = arith.constant 0 : i32
    %ne3A_61 = vector.broadcast %ne3A_60 : i32 to vector<32x256xi32>
    %ne3A_62 = arith.cmpi ne, %rem3A_59, %ne3A_61 : vector<32x256xi32>
    %lt3A_63 = arith.constant 0 : i32
    %lt3A_64 = vector.broadcast %lt3A_63 : i32 to vector<32x256xi32>
    %lt3A_65 = arith.cmpi slt, %rem3A_59, %lt3A_64 : vector<32x256xi32>
    %lt3A_66 = arith.constant 0 : i32
    %lt3A_67 = arith.cmpi slt, %select_n3A_57, %lt3A_66 : i32
    %ne3A_68 = vector.broadcast %lt3A_67 : i1 to vector<32x256xi1>
    %ne3A_69 = vector.broadcast %ne3A_68 : vector<32x256xi1> to vector<32x256xi1>
    %ne3A_70 = arith.xori %lt3A_65, %ne3A_69 : vector<32x256xi1>
    %and3A_71 = arith.andi %ne3A_70, %ne3A_62 : vector<32x256xi1>
    %add3A_72 = vector.broadcast %select_n3A_57 : i32 to vector<32x256xi32>
    %add3A_73 = arith.addi %rem3A_59, %add3A_72 : vector<32x256xi32>
    %select_n3A_74 = arith.select %and3A_71, %add3A_73, %rem3A_59 : vector<32x256xi1>, vector<32x256xi32>
    %eq3A_75 = arith.constant 1 : i32
    %eq3A_76 = vector.broadcast %eq3A_75 : i32 to vector<32x256xi32>
    %eq3A_77 = arith.cmpi eq, %select_n3A_74, %eq3A_76 : vector<32x256xi32>
    %convert_element_type3A_78 = arith.extui %eq3A_77 : vector<32x256xi1> to vector<32x256xi32>
    %convert_element_type3A_79 = arith.sitofp %convert_element_type3A_78 : vector<32x256xi32> to vector<32x256xf32>
    %jit3A_80 = arith.constant 4 : i32
    %eq3A_81 = arith.constant 0 : i32
    %eq3A_82 = arith.cmpi eq, %jit3A_80, %eq3A_81 : i32
    %jit3A_83 = arith.constant 1 : i32
    %select_n3A_84 = arith.select %eq3A_82, %jit3A_83, %jit3A_80 : i32
    %rem3A_85 = vector.broadcast %select_n3A_84 : i32 to vector<32x256xi32>
    %rem3A_86 = arith.remsi %iota3A_28, %rem3A_85 : vector<32x256xi32>
    %ne3A_87 = arith.constant 0 : i32
    %ne3A_88 = vector.broadcast %ne3A_87 : i32 to vector<32x256xi32>
    %ne3A_89 = arith.cmpi ne, %rem3A_86, %ne3A_88 : vector<32x256xi32>
    %lt3A_90 = arith.constant 0 : i32
    %lt3A_91 = vector.broadcast %lt3A_90 : i32 to vector<32x256xi32>
    %lt3A_92 = arith.cmpi slt, %rem3A_86, %lt3A_91 : vector<32x256xi32>
    %lt3A_93 = arith.constant 0 : i32
    %lt3A_94 = arith.cmpi slt, %select_n3A_84, %lt3A_93 : i32
    %ne3A_95 = vector.broadcast %lt3A_94 : i1 to vector<32x256xi1>
    %ne3A_96 = vector.broadcast %ne3A_95 : vector<32x256xi1> to vector<32x256xi1>
    %ne3A_97 = arith.xori %lt3A_92, %ne3A_96 : vector<32x256xi1>
    %and3A_98 = arith.andi %ne3A_97, %ne3A_89 : vector<32x256xi1>
    %add3A_99 = vector.broadcast %select_n3A_84 : i32 to vector<32x256xi32>
    %add3A_100 = arith.addi %rem3A_86, %add3A_99 : vector<32x256xi32>
    %select_n3A_101 = arith.select %and3A_98, %add3A_100, %rem3A_86 : vector<32x256xi1>, vector<32x256xi32>
    %eq3A_102 = arith.constant 2 : i32
    %eq3A_103 = vector.broadcast %eq3A_102 : i32 to vector<32x256xi32>
    %eq3A_104 = arith.cmpi eq, %select_n3A_101, %eq3A_103 : vector<32x256xi32>
    %convert_element_type3A_105 = arith.extui %eq3A_104 : vector<32x256xi1> to vector<32x256xi32>
    %convert_element_type3A_106 = arith.sitofp %convert_element_type3A_105 : vector<32x256xi32> to vector<32x256xf32>
    %jit3A_107 = arith.constant 4 : i32
    %eq3A_108 = arith.constant 0 : i32
    %eq3A_109 = arith.cmpi eq, %jit3A_107, %eq3A_108 : i32
    %jit3A_110 = arith.constant 1 : i32
    %select_n3A_111 = arith.select %eq3A_109, %jit3A_110, %jit3A_107 : i32
    %rem3A_112 = vector.broadcast %select_n3A_111 : i32 to vector<32x256xi32>
    %rem3A_113 = arith.remsi %iota3A_28, %rem3A_112 : vector<32x256xi32>
    %ne3A_114 = arith.constant 0 : i32
    %ne3A_115 = vector.broadcast %ne3A_114 : i32 to vector<32x256xi32>
    %ne3A_116 = arith.cmpi ne, %rem3A_113, %ne3A_115 : vector<32x256xi32>
    %lt3A_117 = arith.constant 0 : i32
    %lt3A_118 = vector.broadcast %lt3A_117 : i32 to vector<32x256xi32>
    %lt3A_119 = arith.cmpi slt, %rem3A_113, %lt3A_118 : vector<32x256xi32>
    %lt3A_120 = arith.constant 0 : i32
    %lt3A_121 = arith.cmpi slt, %select_n3A_111, %lt3A_120 : i32
    %ne3A_122 = vector.broadcast %lt3A_121 : i1 to vector<32x256xi1>
    %ne3A_123 = vector.broadcast %ne3A_122 : vector<32x256xi1> to vector<32x256xi1>
    %ne3A_124 = arith.xori %lt3A_119, %ne3A_123 : vector<32x256xi1>
    %and3A_125 = arith.andi %ne3A_124, %ne3A_116 : vector<32x256xi1>
    %add3A_126 = vector.broadcast %select_n3A_111 : i32 to vector<32x256xi32>
    %add3A_127 = arith.addi %rem3A_113, %add3A_126 : vector<32x256xi32>
    %select_n3A_128 = arith.select %and3A_125, %add3A_127, %rem3A_113 : vector<32x256xi1>, vector<32x256xi32>
    %eq3A_129 = arith.constant 3 : i32
    %eq3A_130 = vector.broadcast %eq3A_129 : i32 to vector<32x256xi32>
    %eq3A_131 = arith.cmpi eq, %select_n3A_128, %eq3A_130 : vector<32x256xi32>
    %convert_element_type3A_132 = arith.extui %eq3A_131 : vector<32x256xi1> to vector<32x256xi32>
    %convert_element_type3A_133 = arith.sitofp %convert_element_type3A_132 : vector<32x256xi32> to vector<32x256xf32>
    %get3A = arith.constant 0 : index
    %get3A_134 = arith.constant 0 : index
    %get3A_135 = vector.load %arg1[%get3A, %get3A_134] : memref<32x8192xf32, #tpu.memory_space<vmem>>, vector<32x256xf32>
    %mul3A = arith.mulf %get3A_135, %convert_element_type3A_52 : vector<32x256xf32>
    %mul3A_136 = arith.mulf %get3A_135, %convert_element_type3A_79 : vector<32x256xf32>
    %mul3A_137 = arith.mulf %get3A_135, %convert_element_type3A_106 : vector<32x256xf32>
    %mul3A_138 = arith.mulf %get3A_135, %convert_element_type3A_133 : vector<32x256xf32>
    %concatenate3A = tpu.concatenate %mul3A, %mul3A_136, %mul3A_137, %mul3A_138 in 0 : vector<32x256xf32>, vector<32x256xf32>, vector<32x256xf32>, vector<32x256xf32> -> vector<128x256xf32>
    %dot_general3A = arith.constant dense<0.000000e+00> : vector<64x128xf32>
    %dot_general3A_139 = tpu.matmul %select_n3A_27, %concatenate3A, %dot_general3A {dimension_numbers = #tpu.dot_dimension_numbers<[1], [1], [0], [0], [0, 0, 1, 0], [], []>, transpose_lhs_hint = false} : vector<64x256xf32>, vector<128x256xf32>, vector<64x128xf32> -> vector<64x128xf32>
    %swap3A = arith.constant 0 : index
    %swap3A_140 = arith.constant 0 : index
    %swap3A_141 = vector.load %arg2[%swap3A, %swap3A_140] : memref<2048x128xf32, #tpu.memory_space<vmem>>, vector<64x128xf32>
    tpu.vector_store %arg2[%swap3A, %swap3A_140], %dot_general3A_139 {strides = array<i32>} : memref<2048x128xf32, #tpu.memory_space<vmem>>, vector<64x128xf32>,
    %get3A_142 = arith.constant 0 : index
    %get3A_143 = arith.constant 256 : index
    %get3A_144 = vector.load %arg1[%get3A_142, %get3A_143] : memref<32x8192xf32, #tpu.memory_space<vmem>>, vector<32x256xf32>
    %mul3A_145 = arith.mulf %get3A_144, %convert_element_type3A_52 : vector<32x256xf32>
    %mul3A_146 = arith.mulf %get3A_144, %convert_element_type3A_79 : vector<32x256xf32>
    %mul3A_147 = arith.mulf %get3A_144, %convert_element_type3A_106 : vector<32x256xf32>
    %mul3A_148 = arith.mulf %get3A_144, %convert_element_type3A_133 : vector<32x256xf32>
    %concatenate3A_149 = tpu.concatenate %mul3A_145, %mul3A_146, %mul3A_147, %mul3A_148 in 0 : vector<32x256xf32>, vector<32x256xf32>, vector<32x256xf32>, vector<32x256xf32> -> vector<128x256xf32>
    %dot_general3A_150 = arith.constant dense<0.000000e+00> : vector<64x128xf32>
    %dot_general3A_151 = tpu.matmul %select_n3A_27, %concatenate3A_149, %dot_general3A_150 {dimension_numbers = #tpu.dot_dimension_numbers<[1], [1], [0], [0], [0, 0, 1, 0], [], []>, transpose_lhs_hint = false} : vector<64x256xf32>, vector<128x256xf32>, vector<64x128xf32> -> vector<64x128xf32>
    %swap3A_152 = arith.constant 64 : index
    %swap3A_153 = arith.constant 0 : index
    %swap3A_154 = vector.load %arg2[%swap3A_152, %swap3A_153] : memref<2048x128xf32, #tpu.memory_space<vmem>>, vector<64x128xf32>
    tpu.vector_store %arg2[%swap3A_152, %swap3A_153], %dot_general3A_151 {strides = array<i32>} : memref<2048x128xf32, #tpu.memory_space<vmem>>, vector<64x128xf32>,
    %get3A_155 = arith.constant 0 : index
    %get3A_156 = arith.constant 512 : index
    %get3A_157 = vector.load %arg1[%get3A_155, %get3A_156] : memref<32x8192xf32, #tpu.memory_space<vmem>>, vector<32x256xf32>
    %mul3A_158 = arith.mulf %get3A_157, %convert_element_type3A_52 : vector<32x256xf32>
    %mul3A_159 = arith.mulf %get3A_157, %convert_element_type3A_79 : vector<32x256xf32>
    %mul3A_160 = arith.mulf %get3A_157, %convert_element_type3A_106 : vector<32x256xf32>
    %mul3A_161 = arith.mulf %get3A_157, %convert_element_type3A_133 : vector<32x256xf32>
    %concatenate3A_162 = tpu.concatenate %mul3A_158, %mul3A_159, %mul3A_160, %mul3A_161 in 0 : vector<32x256xf32>, vector<32x256xf32>, vector<32x256xf32>, vector<32x256xf32> -> vector<128x256xf32>
    %dot_general3A_163 = arith.constant dense<0.000000e+00> : vector<64x128xf32>
    %dot_general3A_164 = tpu.matmul %select_n3A_27, %concatenate3A_162, %dot_general3A_163 {dimension_numbers = #tpu.dot_dimension_numbers<[1], [1], [0], [0], [0, 0, 1, 0], [], []>, transpose_lhs_hint = false} : vector<64x256xf32>, vector<128x256xf32>, vector<64x128xf32> -> vector<64x128xf32>
    %swap3A_165 = arith.constant 128 : index
    %swap3A_166 = arith.constant 0 : index
    %swap3A_167 = vector.load %arg2[%swap3A_165, %swap3A_166] : memref<2048x128xf32, #tpu.memory_space<vmem>>, vector<64x128xf32>
    tpu.vector_store %arg2[%swap3A_165, %swap3A_166], %dot_general3A_164 {strides = array<i32>} : memref<2048x128xf32, #tpu.memory_space<vmem>>, vector<64x128xf32>,
    %get3A_168 = arith.constant 0 : index
    %get3A_169 = arith.constant 768 : index
    %get3A_170 = vector.load %arg1[%get3A_168, %get3A_169] : memref<32x8192xf32, #tpu.memory_space<vmem>>, vector<32x256xf32>
    %mul3A_171 = arith.mulf %get3A_170, %convert_element_type3A_52 : vector<32x256xf32>
    %mul3A_172 = arith.mulf %get3A_170, %convert_element_type3A_79 : vector<32x256xf32>
    %mul3A_173 = arith.mulf %get3A_170, %convert_element_type3A_106 : vector<32x256xf32>
    %mul3A_174 = arith.mulf %get3A_170, %convert_element_type3A_133 : vector<32x256xf32>
    %concatenate3A_175 = tpu.concatenate %mul3A_171, %mul3A_172, %mul3A_173, %mul3A_174 in 0 : vector<32x256xf32>, vector<32x256xf32>, vector<32x256xf32>, vector<32x256xf32> -> vector<128x256xf32>
    %dot_general3A_176 = arith.constant dense<0.000000e+00> : vector<64x128xf32>
    %dot_general3A_177 = tpu.matmul %select_n3A_27, %concatenate3A_175, %dot_general3A_176 {dimension_numbers = #tpu.dot_dimension_numbers<[1], [1], [0], [0], [0, 0, 1, 0], [], []>, transpose_lhs_hint = false} : vector<64x256xf32>, vector<128x256xf32>, vector<64x128xf32> -> vector<64x128xf32>
    %swap3A_178 = arith.constant 192 : index
    %swap3A_179 = arith.constant 0 : index
    %swap3A_180 = vector.load %arg2[%swap3A_178, %swap3A_179] : memref<2048x128xf32, #tpu.memory_space<vmem>>, vector<64x128xf32>
    tpu.vector_store %arg2[%swap3A_178, %swap3A_179], %dot_general3A_177 {strides = array<i32>} : memref<2048x128xf32, #tpu.memory_space<vmem>>, vector<64x128xf32>,
    %get3A_181 = arith.constant 0 : index
    %get3A_182 = arith.constant 1024 : index
    %get3A_183 = vector.load %arg1[%get3A_181, %get3A_182] : memref<32x8192xf32, #tpu.memory_space<vmem>>, vector<32x256xf32>
    %mul3A_184 = arith.mulf %get3A_183, %convert_element_type3A_52 : vector<32x256xf32>
    %mul3A_185 = arith.mulf %get3A_183, %convert_element_type3A_79 : vector<32x256xf32>
    %mul3A_186 = arith.mulf %get3A_183, %convert_element_type3A_106 : vector<32x256xf32>
    %mul3A_187 = arith.mulf %get3A_183, %convert_element_type3A_133 : vector<32x256xf32>
    %concatenate3A_188 = tpu.concatenate %mul3A_184, %mul3A_185, %mul3A_186, %mul3A_187 in 0 : vector<32x256xf32>, vector<32x256xf32>, vector<32x256xf32>, vector<32x256xf32> -> vector<128x256xf32>
    %dot_general3A_189 = arith.constant dense<0.000000e+00> : vector<64x128xf32>
    %dot_general3A_190 = tpu.matmul %select_n3A_27, %concatenate3A_188, %dot_general3A_189 {dimension_numbers = #tpu.dot_dimension_numbers<[1], [1], [0], [0], [0, 0, 1, 0], [], []>, transpose_lhs_hint = false} : vector<64x256xf32>, vector<128x256xf32>, vector<64x128xf32> -> vector<64x128xf32>
    %swap3A_191 = arith.constant 256 : index
    %swap3A_192 = arith.constant 0 : index
    %swap3A_193 = vector.load %arg2[%swap3A_191, %swap3A_192] : memref<2048x128xf32, #tpu.memory_space<vmem>>, vector<64x128xf32>
    tpu.vector_store %arg2[%swap3A_191, %swap3A_192], %dot_general3A_190 {strides = array<i32>} : memref<2048x128xf32, #tpu.memory_space<vmem>>, vector<64x128xf32>,
    %get3A_194 = arith.constant 0 : index
    %get3A_195 = arith.constant 1280 : index
    %get3A_196 = vector.load %arg1[%get3A_194, %get3A_195] : memref<32x8192xf32, #tpu.memory_space<vmem>>, vector<32x256xf32>
    %mul3A_197 = arith.mulf %get3A_196, %convert_element_type3A_52 : vector<32x256xf32>
    %mul3A_198 = arith.mulf %get3A_196, %convert_element_type3A_79 : vector<32x256xf32>
    %mul3A_199 = arith.mulf %get3A_196, %convert_element_type3A_106 : vector<32x256xf32>
    %mul3A_200 = arith.mulf %get3A_196, %convert_element_type3A_133 : vector<32x256xf32>
    %concatenate3A_201 = tpu.concatenate %mul3A_197, %mul3A_198, %mul3A_199, %mul3A_200 in 0 : vector<32x256xf32>, vector<32x256xf32>, vector<32x256xf32>, vector<32x256xf32> -> vector<128x256xf32>
    %dot_general3A_202 = arith.constant dense<0.000000e+00> : vector<64x128xf32>
    %dot_general3A_203 = tpu.matmul %select_n3A_27, %concatenate3A_201, %dot_general3A_202 {dimension_numbers = #tpu.dot_dimension_numbers<[1], [1], [0], [0], [0, 0, 1, 0], [], []>, transpose_lhs_hint = false} : vector<64x256xf32>, vector<128x256xf32>, vector<64x128xf32> -> vector<64x128xf32>
    %swap3A_204 = arith.constant 320 : index
    %swap3A_205 = arith.constant 0 : index
    %swap3A_206 = vector.load %arg2[%swap3A_204, %swap3A_205] : memref<2048x128xf32, #tpu.memory_space<vmem>>, vector<64x128xf32>
    tpu.vector_store %arg2[%swap3A_204, %swap3A_205], %dot_general3A_203 {strides = array<i32>} : memref<2048x128xf32, #tpu.memory_space<vmem>>, vector<64x128xf32>,
    %get3A_207 = arith.constant 0 : index
    %get3A_208 = arith.constant 1536 : index
    %get3A_209 = vector.load %arg1[%get3A_207, %get3A_208] : memref<32x8192xf32, #tpu.memory_space<vmem>>, vector<32x256xf32>
    %mul3A_210 = arith.mulf %get3A_209, %convert_element_type3A_52 : vector<32x256xf32>
    %mul3A_211 = arith.mulf %get3A_209, %convert_element_type3A_79 : vector<32x256xf32>
    %mul3A_212 = arith.mulf %get3A_209, %convert_element_type3A_106 : vector<32x256xf32>
    %mul3A_213 = arith.mulf %get3A_209, %convert_element_type3A_133 : vector<32x256xf32>
    %concatenate3A_214 = tpu.concatenate %mul3A_210, %mul3A_211, %mul3A_212, %mul3A_213 in 0 : vector<32x256xf32>, vector<32x256xf32>, vector<32x256xf32>, vector<32x256xf32> -> vector<128x256xf32>
    %dot_general3A_215 = arith.constant dense<0.000000e+00> : vector<64x128xf32>
    %dot_general3A_216 = tpu.matmul %select_n3A_27, %concatenate3A_214, %dot_general3A_215 {dimension_numbers = #tpu.dot_dimension_numbers<[1], [1], [0], [0], [0, 0, 1, 0], [], []>, transpose_lhs_hint = false} : vector<64x256xf32>, vector<128x256xf32>, vector<64x128xf32> -> vector<64x128xf32>
    %swap3A_217 = arith.constant 384 : index
    %swap3A_218 = arith.constant 0 : index
    %swap3A_219 = vector.load %arg2[%swap3A_217, %swap3A_218] : memref<2048x128xf32, #tpu.memory_space<vmem>>, vector<64x128xf32>
    tpu.vector_store %arg2[%swap3A_217, %swap3A_218], %dot_general3A_216 {strides = array<i32>} : memref<2048x128xf32, #tpu.memory_space<vmem>>, vector<64x128xf32>,
    %get3A_220 = arith.constant 0 : index
    %get3A_221 = arith.constant 1792 : index
    %get3A_222 = vector.load %arg1[%get3A_220, %get3A_221] : memref<32x8192xf32, #tpu.memory_space<vmem>>, vector<32x256xf32>
    %mul3A_223 = arith.mulf %get3A_222, %convert_element_type3A_52 : vector<32x256xf32>
    %mul3A_224 = arith.mulf %get3A_222, %convert_element_type3A_79 : vector<32x256xf32>
    %mul3A_225 = arith.mulf %get3A_222, %convert_element_type3A_106 : vector<32x256xf32>
    %mul3A_226 = arith.mulf %get3A_222, %convert_element_type3A_133 : vector<32x256xf32>
    %concatenate3A_227 = tpu.concatenate %mul3A_223, %mul3A_224, %mul3A_225, %mul3A_226 in 0 : vector<32x256xf32>, vector<32x256xf32>, vector<32x256xf32>, vector<32x256xf32> -> vector<128x256xf32>
    %dot_general3A_228 = arith.constant dense<0.000000e+00> : vector<64x128xf32>
    %dot_general3A_229 = tpu.matmul %select_n3A_27, %concatenate3A_227, %dot_general3A_228 {dimension_numbers = #tpu.dot_dimension_numbers<[1], [1], [0], [0], [0, 0, 1, 0], [], []>, transpose_lhs_hint = false} : vector<64x256xf32>, vector<128x256xf32>, vector<64x128xf32> -> vector<64x128xf32>
    %swap3A_230 = arith.constant 448 : index
    %swap3A_231 = arith.constant 0 : index
    %swap3A_232 = vector.load %arg2[%swap3A_230, %swap3A_231] : memref<2048x128xf32, #tpu.memory_space<vmem>>, vector<64x128xf32>
    tpu.vector_store %arg2[%swap3A_230, %swap3A_231], %dot_general3A_229 {strides = array<i32>} : memref<2048x128xf32, #tpu.memory_space<vmem>>, vector<64x128xf32>,
    %get3A_233 = arith.constant 0 : index
    %get3A_234 = arith.constant 2048 : index
    %get3A_235 = vector.load %arg1[%get3A_233, %get3A_234] : memref<32x8192xf32, #tpu.memory_space<vmem>>, vector<32x256xf32>
    %mul3A_236 = arith.mulf %get3A_235, %convert_element_type3A_52 : vector<32x256xf32>
    %mul3A_237 = arith.mulf %get3A_235, %convert_element_type3A_79 : vector<32x256xf32>
    %mul3A_238 = arith.mulf %get3A_235, %convert_element_type3A_106 : vector<32x256xf32>
    %mul3A_239 = arith.mulf %get3A_235, %convert_element_type3A_133 : vector<32x256xf32>
    %concatenate3A_240 = tpu.concatenate %mul3A_236, %mul3A_237, %mul3A_238, %mul3A_239 in 0 : vector<32x256xf32>, vector<32x256xf32>, vector<32x256xf32>, vector<32x256xf32> -> vector<128x256xf32>
    %dot_general3A_241 = arith.constant dense<0.000000e+00> : vector<64x128xf32>
    %dot_general3A_242 = tpu.matmul %select_n3A_27, %concatenate3A_240, %dot_general3A_241 {dimension_numbers = #tpu.dot_dimension_numbers<[1], [1], [0], [0], [0, 0, 1, 0], [], []>, transpose_lhs_hint = false} : vector<64x256xf32>, vector<128x256xf32>, vector<64x128xf32> -> vector<64x128xf32>
    %swap3A_243 = arith.constant 512 : index
    %swap3A_244 = arith.constant 0 : index
    %swap3A_245 = vector.load %arg2[%swap3A_243, %swap3A_244] : memref<2048x128xf32, #tpu.memory_space<vmem>>, vector<64x128xf32>
    tpu.vector_store %arg2[%swap3A_243, %swap3A_244], %dot_general3A_242 {strides = array<i32>} : memref<2048x128xf32, #tpu.memory_space<vmem>>, vector<64x128xf32>,
    %get3A_246 = arith.constant 0 : index
    %get3A_247 = arith.constant 2304 : index
    %get3A_248 = vector.load %arg1[%get3A_246, %get3A_247] : memref<32x8192xf32, #tpu.memory_space<vmem>>, vector<32x256xf32>
    %mul3A_249 = arith.mulf %get3A_248, %convert_element_type3A_52 : vector<32x256xf32>
    %mul3A_250 = arith.mulf %get3A_248, %convert_element_type3A_79 : vector<32x256xf32>
    %mul3A_251 = arith.mulf %get3A_248, %convert_element_type3A_106 : vector<32x256xf32>
    %mul3A_252 = arith.mulf %get3A_248, %convert_element_type3A_133 : vector<32x256xf32>
    %concatenate3A_253 = tpu.concatenate %mul3A_249, %mul3A_250, %mul3A_251, %mul3A_252 in 0 : vector<32x256xf32>, vector<32x256xf32>, vector<32x256xf32>, vector<32x256xf32> -> vector<128x256xf32>
    %dot_general3A_254 = arith.constant dense<0.000000e+00> : vector<64x128xf32>
    %dot_general3A_255 = tpu.matmul %select_n3A_27, %concatenate3A_253, %dot_general3A_254 {dimension_numbers = #tpu.dot_dimension_numbers<[1], [1], [0], [0], [0, 0, 1, 0], [], []>, transpose_lhs_hint = false} : vector<64x256xf32>, vector<128x256xf32>, vector<64x128xf32> -> vector<64x128xf32>
    %swap3A_256 = arith.constant 576 : index
    %swap3A_257 = arith.constant 0 : index
    %swap3A_258 = vector.load %arg2[%swap3A_256, %swap3A_257] : memref<2048x128xf32, #tpu.memory_space<vmem>>, vector<64x128xf32>
    tpu.vector_store %arg2[%swap3A_256, %swap3A_257], %dot_general3A_255 {strides = array<i32>} : memref<2048x128xf32, #tpu.memory_space<vmem>>, vector<64x128xf32>,
    %get3A_259 = arith.constant 0 : index
    %get3A_260 = arith.constant 2560 : index
    %get3A_261 = vector.load %arg1[%get3A_259, %get3A_260] : memref<32x8192xf32, #tpu.memory_space<vmem>>, vector<32x256xf32>
    %mul3A_262 = arith.mulf %get3A_261, %convert_element_type3A_52 : vector<32x256xf32>
    %mul3A_263 = arith.mulf %get3A_261, %convert_element_type3A_79 : vector<32x256xf32>
    %mul3A_264 = arith.mulf %get3A_261, %convert_element_type3A_106 : vector<32x256xf32>
    %mul3A_265 = arith.mulf %get3A_261, %convert_element_type3A_133 : vector<32x256xf32>
    %concatenate3A_266 = tpu.concatenate %mul3A_262, %mul3A_263, %mul3A_264, %mul3A_265 in 0 : vector<32x256xf32>, vector<32x256xf32>, vector<32x256xf32>, vector<32x256xf32> -> vector<128x256xf32>
    %dot_general3A_267 = arith.constant dense<0.000000e+00> : vector<64x128xf32>
    %dot_general3A_268 = tpu.matmul %select_n3A_27, %concatenate3A_266, %dot_general3A_267 {dimension_numbers = #tpu.dot_dimension_numbers<[1], [1], [0], [0], [0, 0, 1, 0], [], []>, transpose_lhs_hint = false} : vector<64x256xf32>, vector<128x256xf32>, vector<64x128xf32> -> vector<64x128xf32>
    %swap3A_269 = arith.constant 640 : index
    %swap3A_270 = arith.constant 0 : index
    %swap3A_271 = vector.load %arg2[%swap3A_269, %swap3A_270] : memref<2048x128xf32, #tpu.memory_space<vmem>>, vector<64x128xf32>
    tpu.vector_store %arg2[%swap3A_269, %swap3A_270], %dot_general3A_268 {strides = array<i32>} : memref<2048x128xf32, #tpu.memory_space<vmem>>, vector<64x128xf32>,
    %get3A_272 = arith.constant 0 : index
    %get3A_273 = arith.constant 2816 : index
    %get3A_274 = vector.load %arg1[%get3A_272, %get3A_273] : memref<32x8192xf32, #tpu.memory_space<vmem>>, vector<32x256xf32>
    %mul3A_275 = arith.mulf %get3A_274, %convert_element_type3A_52 : vector<32x256xf32>
    %mul3A_276 = arith.mulf %get3A_274, %convert_element_type3A_79 : vector<32x256xf32>
    %mul3A_277 = arith.mulf %get3A_274, %convert_element_type3A_106 : vector<32x256xf32>
    %mul3A_278 = arith.mulf %get3A_274, %convert_element_type3A_133 : vector<32x256xf32>
    %concatenate3A_279 = tpu.concatenate %mul3A_275, %mul3A_276, %mul3A_277, %mul3A_278 in 0 : vector<32x256xf32>, vector<32x256xf32>, vector<32x256xf32>, vector<32x256xf32> -> vector<128x256xf32>
    %dot_general3A_280 = arith.constant dense<0.000000e+00> : vector<64x128xf32>
    %dot_general3A_281 = tpu.matmul %select_n3A_27, %concatenate3A_279, %dot_general3A_280 {dimension_numbers = #tpu.dot_dimension_numbers<[1], [1], [0], [0], [0, 0, 1, 0], [], []>, transpose_lhs_hint = false} : vector<64x256xf32>, vector<128x256xf32>, vector<64x128xf32> -> vector<64x128xf32>
    %swap3A_282 = arith.constant 704 : index
    %swap3A_283 = arith.constant 0 : index
    %swap3A_284 = vector.load %arg2[%swap3A_282, %swap3A_283] : memref<2048x128xf32, #tpu.memory_space<vmem>>, vector<64x128xf32>
    tpu.vector_store %arg2[%swap3A_282, %swap3A_283], %dot_general3A_281 {strides = array<i32>} : memref<2048x128xf32, #tpu.memory_space<vmem>>, vector<64x128xf32>,
    %get3A_285 = arith.constant 0 : index
    %get3A_286 = arith.constant 3072 : index
    %get3A_287 = vector.load %arg1[%get3A_285, %get3A_286] : memref<32x8192xf32, #tpu.memory_space<vmem>>, vector<32x256xf32>
    %mul3A_288 = arith.mulf %get3A_287, %convert_element_type3A_52 : vector<32x256xf32>
    %mul3A_289 = arith.mulf %get3A_287, %convert_element_type3A_79 : vector<32x256xf32>
    %mul3A_290 = arith.mulf %get3A_287, %convert_element_type3A_106 : vector<32x256xf32>
    %mul3A_291 = arith.mulf %get3A_287, %convert_element_type3A_133 : vector<32x256xf32>
    %concatenate3A_292 = tpu.concatenate %mul3A_288, %mul3A_289, %mul3A_290, %mul3A_291 in 0 : vector<32x256xf32>, vector<32x256xf32>, vector<32x256xf32>, vector<32x256xf32> -> vector<128x256xf32>
    %dot_general3A_293 = arith.constant dense<0.000000e+00> : vector<64x128xf32>
    %dot_general3A_294 = tpu.matmul %select_n3A_27, %concatenate3A_292, %dot_general3A_293 {dimension_numbers = #tpu.dot_dimension_numbers<[1], [1], [0], [0], [0, 0, 1, 0], [], []>, transpose_lhs_hint = false} : vector<64x256xf32>, vector<128x256xf32>, vector<64x128xf32> -> vector<64x128xf32>
    %swap3A_295 = arith.constant 768 : index
    %swap3A_296 = arith.constant 0 : index
    %swap3A_297 = vector.load %arg2[%swap3A_295, %swap3A_296] : memref<2048x128xf32, #tpu.memory_space<vmem>>, vector<64x128xf32>
    tpu.vector_store %arg2[%swap3A_295, %swap3A_296], %dot_general3A_294 {strides = array<i32>} : memref<2048x128xf32, #tpu.memory_space<vmem>>, vector<64x128xf32>,
    %get3A_298 = arith.constant 0 : index
    %get3A_299 = arith.constant 3328 : index
    %get3A_300 = vector.load %arg1[%get3A_298, %get3A_299] : memref<32x8192xf32, #tpu.memory_space<vmem>>, vector<32x256xf32>
    %mul3A_301 = arith.mulf %get3A_300, %convert_element_type3A_52 : vector<32x256xf32>
    %mul3A_302 = arith.mulf %get3A_300, %convert_element_type3A_79 : vector<32x256xf32>
    %mul3A_303 = arith.mulf %get3A_300, %convert_element_type3A_106 : vector<32x256xf32>
    %mul3A_304 = arith.mulf %get3A_300, %convert_element_type3A_133 : vector<32x256xf32>
    %concatenate3A_305 = tpu.concatenate %mul3A_301, %mul3A_302, %mul3A_303, %mul3A_304 in 0 : vector<32x256xf32>, vector<32x256xf32>, vector<32x256xf32>, vector<32x256xf32> -> vector<128x256xf32>
    %dot_general3A_306 = arith.constant dense<0.000000e+00> : vector<64x128xf32>
    %dot_general3A_307 = tpu.matmul %select_n3A_27, %concatenate3A_305, %dot_general3A_306 {dimension_numbers = #tpu.dot_dimension_numbers<[1], [1], [0], [0], [0, 0, 1, 0], [], []>, transpose_lhs_hint = false} : vector<64x256xf32>, vector<128x256xf32>, vector<64x128xf32> -> vector<64x128xf32>
    %swap3A_308 = arith.constant 832 : index
    %swap3A_309 = arith.constant 0 : index
    %swap3A_310 = vector.load %arg2[%swap3A_308, %swap3A_309] : memref<2048x128xf32, #tpu.memory_space<vmem>>, vector<64x128xf32>
    tpu.vector_store %arg2[%swap3A_308, %swap3A_309], %dot_general3A_307 {strides = array<i32>} : memref<2048x128xf32, #tpu.memory_space<vmem>>, vector<64x128xf32>,
    %get3A_311 = arith.constant 0 : index
    %get3A_312 = arith.constant 3584 : index
    %get3A_313 = vector.load %arg1[%get3A_311, %get3A_312] : memref<32x8192xf32, #tpu.memory_space<vmem>>, vector<32x256xf32>
    %mul3A_314 = arith.mulf %get3A_313, %convert_element_type3A_52 : vector<32x256xf32>
    %mul3A_315 = arith.mulf %get3A_313, %convert_element_type3A_79 : vector<32x256xf32>
    %mul3A_316 = arith.mulf %get3A_313, %convert_element_type3A_106 : vector<32x256xf32>
    %mul3A_317 = arith.mulf %get3A_313, %convert_element_type3A_133 : vector<32x256xf32>
    %concatenate3A_318 = tpu.concatenate %mul3A_314, %mul3A_315, %mul3A_316, %mul3A_317 in 0 : vector<32x256xf32>, vector<32x256xf32>, vector<32x256xf32>, vector<32x256xf32> -> vector<128x256xf32>
    %dot_general3A_319 = arith.constant dense<0.000000e+00> : vector<64x128xf32>
    %dot_general3A_320 = tpu.matmul %select_n3A_27, %concatenate3A_318, %dot_general3A_319 {dimension_numbers = #tpu.dot_dimension_numbers<[1], [1], [0], [0], [0, 0, 1, 0], [], []>, transpose_lhs_hint = false} : vector<64x256xf32>, vector<128x256xf32>, vector<64x128xf32> -> vector<64x128xf32>
    %swap3A_321 = arith.constant 896 : index
    %swap3A_322 = arith.constant 0 : index
    %swap3A_323 = vector.load %arg2[%swap3A_321, %swap3A_322] : memref<2048x128xf32, #tpu.memory_space<vmem>>, vector<64x128xf32>
    tpu.vector_store %arg2[%swap3A_321, %swap3A_322], %dot_general3A_320 {strides = array<i32>} : memref<2048x128xf32, #tpu.memory_space<vmem>>, vector<64x128xf32>,
    %get3A_324 = arith.constant 0 : index
    %get3A_325 = arith.constant 3840 : index
    %get3A_326 = vector.load %arg1[%get3A_324, %get3A_325] : memref<32x8192xf32, #tpu.memory_space<vmem>>, vector<32x256xf32>
    %mul3A_327 = arith.mulf %get3A_326, %convert_element_type3A_52 : vector<32x256xf32>
    %mul3A_328 = arith.mulf %get3A_326, %convert_element_type3A_79 : vector<32x256xf32>
    %mul3A_329 = arith.mulf %get3A_326, %convert_element_type3A_106 : vector<32x256xf32>
    %mul3A_330 = arith.mulf %get3A_326, %convert_element_type3A_133 : vector<32x256xf32>
    %concatenate3A_331 = tpu.concatenate %mul3A_327, %mul3A_328, %mul3A_329, %mul3A_330 in 0 : vector<32x256xf32>, vector<32x256xf32>, vector<32x256xf32>, vector<32x256xf32> -> vector<128x256xf32>
    %dot_general3A_332 = arith.constant dense<0.000000e+00> : vector<64x128xf32>
    %dot_general3A_333 = tpu.matmul %select_n3A_27, %concatenate3A_331, %dot_general3A_332 {dimension_numbers = #tpu.dot_dimension_numbers<[1], [1], [0], [0], [0, 0, 1, 0], [], []>, transpose_lhs_hint = false} : vector<64x256xf32>, vector<128x256xf32>, vector<64x128xf32> -> vector<64x128xf32>
    %swap3A_334 = arith.constant 960 : index
    %swap3A_335 = arith.constant 0 : index
    %swap3A_336 = vector.load %arg2[%swap3A_334, %swap3A_335] : memref<2048x128xf32, #tpu.memory_space<vmem>>, vector<64x128xf32>
    tpu.vector_store %arg2[%swap3A_334, %swap3A_335], %dot_general3A_333 {strides = array<i32>} : memref<2048x128xf32, #tpu.memory_space<vmem>>, vector<64x128xf32>,
    %get3A_337 = arith.constant 0 : index
    %get3A_338 = arith.constant 4096 : index
    %get3A_339 = vector.load %arg1[%get3A_337, %get3A_338] : memref<32x8192xf32, #tpu.memory_space<vmem>>, vector<32x256xf32>
    %mul3A_340 = arith.mulf %get3A_339, %convert_element_type3A_52 : vector<32x256xf32>
    %mul3A_341 = arith.mulf %get3A_339, %convert_element_type3A_79 : vector<32x256xf32>
    %mul3A_342 = arith.mulf %get3A_339, %convert_element_type3A_106 : vector<32x256xf32>
    %mul3A_343 = arith.mulf %get3A_339, %convert_element_type3A_133 : vector<32x256xf32>
    %concatenate3A_344 = tpu.concatenate %mul3A_340, %mul3A_341, %mul3A_342, %mul3A_343 in 0 : vector<32x256xf32>, vector<32x256xf32>, vector<32x256xf32>, vector<32x256xf32> -> vector<128x256xf32>
    %dot_general3A_345 = arith.constant dense<0.000000e+00> : vector<64x128xf32>
    %dot_general3A_346 = tpu.matmul %select_n3A_27, %concatenate3A_344, %dot_general3A_345 {dimension_numbers = #tpu.dot_dimension_numbers<[1], [1], [0], [0], [0, 0, 1, 0], [], []>, transpose_lhs_hint = false} : vector<64x256xf32>, vector<128x256xf32>, vector<64x128xf32> -> vector<64x128xf32>
    %swap3A_347 = arith.constant 1024 : index
    %swap3A_348 = arith.constant 0 : index
    %swap3A_349 = vector.load %arg2[%swap3A_347, %swap3A_348] : memref<2048x128xf32, #tpu.memory_space<vmem>>, vector<64x128xf32>
    tpu.vector_store %arg2[%swap3A_347, %swap3A_348], %dot_general3A_346 {strides = array<i32>} : memref<2048x128xf32, #tpu.memory_space<vmem>>, vector<64x128xf32>,
    %get3A_350 = arith.constant 0 : index
    %get3A_351 = arith.constant 4352 : index
    %get3A_352 = vector.load %arg1[%get3A_350, %get3A_351] : memref<32x8192xf32, #tpu.memory_space<vmem>>, vector<32x256xf32>
    %mul3A_353 = arith.mulf %get3A_352, %convert_element_type3A_52 : vector<32x256xf32>
    %mul3A_354 = arith.mulf %get3A_352, %convert_element_type3A_79 : vector<32x256xf32>
    %mul3A_355 = arith.mulf %get3A_352, %convert_element_type3A_106 : vector<32x256xf32>
    %mul3A_356 = arith.mulf %get3A_352, %convert_element_type3A_133 : vector<32x256xf32>
    %concatenate3A_357 = tpu.concatenate %mul3A_353, %mul3A_354, %mul3A_355, %mul3A_356 in 0 : vector<32x256xf32>, vector<32x256xf32>, vector<32x256xf32>, vector<32x256xf32> -> vector<128x256xf32>
    %dot_general3A_358 = arith.constant dense<0.000000e+00> : vector<64x128xf32>
    %dot_general3A_359 = tpu.matmul %select_n3A_27, %concatenate3A_357, %dot_general3A_358 {dimension_numbers = #tpu.dot_dimension_numbers<[1], [1], [0], [0], [0, 0, 1, 0], [], []>, transpose_lhs_hint = false} : vector<64x256xf32>, vector<128x256xf32>, vector<64x128xf32> -> vector<64x128xf32>
    %swap3A_360 = arith.constant 1088 : index
    %swap3A_361 = arith.constant 0 : index
    %swap3A_362 = vector.load %arg2[%swap3A_360, %swap3A_361] : memref<2048x128xf32, #tpu.memory_space<vmem>>, vector<64x128xf32>
    tpu.vector_store %arg2[%swap3A_360, %swap3A_361], %dot_general3A_359 {strides = array<i32>} : memref<2048x128xf32, #tpu.memory_space<vmem>>, vector<64x128xf32>,
    %get3A_363 = arith.constant 0 : index
    %get3A_364 = arith.constant 4608 : index
    %get3A_365 = vector.load %arg1[%get3A_363, %get3A_364] : memref<32x8192xf32, #tpu.memory_space<vmem>>, vector<32x256xf32>
    %mul3A_366 = arith.mulf %get3A_365, %convert_element_type3A_52 : vector<32x256xf32>
    %mul3A_367 = arith.mulf %get3A_365, %convert_element_type3A_79 : vector<32x256xf32>
    %mul3A_368 = arith.mulf %get3A_365, %convert_element_type3A_106 : vector<32x256xf32>
    %mul3A_369 = arith.mulf %get3A_365, %convert_element_type3A_133 : vector<32x256xf32>
    %concatenate3A_370 = tpu.concatenate %mul3A_366, %mul3A_367, %mul3A_368, %mul3A_369 in 0 : vector<32x256xf32>, vector<32x256xf32>, vector<32x256xf32>, vector<32x256xf32> -> vector<128x256xf32>
    %dot_general3A_371 = arith.constant dense<0.000000e+00> : vector<64x128xf32>
    %dot_general3A_372 = tpu.matmul %select_n3A_27, %concatenate3A_370, %dot_general3A_371 {dimension_numbers = #tpu.dot_dimension_numbers<[1], [1], [0], [0], [0, 0, 1, 0], [], []>, transpose_lhs_hint = false} : vector<64x256xf32>, vector<128x256xf32>, vector<64x128xf32> -> vector<64x128xf32>
    %swap3A_373 = arith.constant 1152 : index
    %swap3A_374 = arith.constant 0 : index
    %swap3A_375 = vector.load %arg2[%swap3A_373, %swap3A_374] : memref<2048x128xf32, #tpu.memory_space<vmem>>, vector<64x128xf32>
    tpu.vector_store %arg2[%swap3A_373, %swap3A_374], %dot_general3A_372 {strides = array<i32>} : memref<2048x128xf32, #tpu.memory_space<vmem>>, vector<64x128xf32>,
    %get3A_376 = arith.constant 0 : index
    %get3A_377 = arith.constant 4864 : index
    %get3A_378 = vector.load %arg1[%get3A_376, %get3A_377] : memref<32x8192xf32, #tpu.memory_space<vmem>>, vector<32x256xf32>
    %mul3A_379 = arith.mulf %get3A_378, %convert_element_type3A_52 : vector<32x256xf32>
    %mul3A_380 = arith.mulf %get3A_378, %convert_element_type3A_79 : vector<32x256xf32>
    %mul3A_381 = arith.mulf %get3A_378, %convert_element_type3A_106 : vector<32x256xf32>
    %mul3A_382 = arith.mulf %get3A_378, %convert_element_type3A_133 : vector<32x256xf32>
    %concatenate3A_383 = tpu.concatenate %mul3A_379, %mul3A_380, %mul3A_381, %mul3A_382 in 0 : vector<32x256xf32>, vector<32x256xf32>, vector<32x256xf32>, vector<32x256xf32> -> vector<128x256xf32>
    %dot_general3A_384 = arith.constant dense<0.000000e+00> : vector<64x128xf32>
    %dot_general3A_385 = tpu.matmul %select_n3A_27, %concatenate3A_383, %dot_general3A_384 {dimension_numbers = #tpu.dot_dimension_numbers<[1], [1], [0], [0], [0, 0, 1, 0], [], []>, transpose_lhs_hint = false} : vector<64x256xf32>, vector<128x256xf32>, vector<64x128xf32> -> vector<64x128xf32>
    %swap3A_386 = arith.constant 1216 : index
    %swap3A_387 = arith.constant 0 : index
    %swap3A_388 = vector.load %arg2[%swap3A_386, %swap3A_387] : memref<2048x128xf32, #tpu.memory_space<vmem>>, vector<64x128xf32>
    tpu.vector_store %arg2[%swap3A_386, %swap3A_387], %dot_general3A_385 {strides = array<i32>} : memref<2048x128xf32, #tpu.memory_space<vmem>>, vector<64x128xf32>,
    %get3A_389 = arith.constant 0 : index
    %get3A_390 = arith.constant 5120 : index
    %get3A_391 = vector.load %arg1[%get3A_389, %get3A_390] : memref<32x8192xf32, #tpu.memory_space<vmem>>, vector<32x256xf32>
    %mul3A_392 = arith.mulf %get3A_391, %convert_element_type3A_52 : vector<32x256xf32>
    %mul3A_393 = arith.mulf %get3A_391, %convert_element_type3A_79 : vector<32x256xf32>
    %mul3A_394 = arith.mulf %get3A_391, %convert_element_type3A_106 : vector<32x256xf32>
    %mul3A_395 = arith.mulf %get3A_391, %convert_element_type3A_133 : vector<32x256xf32>
    %concatenate3A_396 = tpu.concatenate %mul3A_392, %mul3A_393, %mul3A_394, %mul3A_395 in 0 : vector<32x256xf32>, vector<32x256xf32>, vector<32x256xf32>, vector<32x256xf32> -> vector<128x256xf32>
    %dot_general3A_397 = arith.constant dense<0.000000e+00> : vector<64x128xf32>
    %dot_general3A_398 = tpu.matmul %select_n3A_27, %concatenate3A_396, %dot_general3A_397 {dimension_numbers = #tpu.dot_dimension_numbers<[1], [1], [0], [0], [0, 0, 1, 0], [], []>, transpose_lhs_hint = false} : vector<64x256xf32>, vector<128x256xf32>, vector<64x128xf32> -> vector<64x128xf32>
    %swap3A_399 = arith.constant 1280 : index
    %swap3A_400 = arith.constant 0 : index
    %swap3A_401 = vector.load %arg2[%swap3A_399, %swap3A_400] : memref<2048x128xf32, #tpu.memory_space<vmem>>, vector<64x128xf32>
    tpu.vector_store %arg2[%swap3A_399, %swap3A_400], %dot_general3A_398 {strides = array<i32>} : memref<2048x128xf32, #tpu.memory_space<vmem>>, vector<64x128xf32>,
    %get3A_402 = arith.constant 0 : index
    %get3A_403 = arith.constant 5376 : index
    %get3A_404 = vector.load %arg1[%get3A_402, %get3A_403] : memref<32x8192xf32, #tpu.memory_space<vmem>>, vector<32x256xf32>
    %mul3A_405 = arith.mulf %get3A_404, %convert_element_type3A_52 : vector<32x256xf32>
    %mul3A_406 = arith.mulf %get3A_404, %convert_element_type3A_79 : vector<32x256xf32>
    %mul3A_407 = arith.mulf %get3A_404, %convert_element_type3A_106 : vector<32x256xf32>
    %mul3A_408 = arith.mulf %get3A_404, %convert_element_type3A_133 : vector<32x256xf32>
    %concatenate3A_409 = tpu.concatenate %mul3A_405, %mul3A_406, %mul3A_407, %mul3A_408 in 0 : vector<32x256xf32>, vector<32x256xf32>, vector<32x256xf32>, vector<32x256xf32> -> vector<128x256xf32>
    %dot_general3A_410 = arith.constant dense<0.000000e+00> : vector<64x128xf32>
    %dot_general3A_411 = tpu.matmul %select_n3A_27, %concatenate3A_409, %dot_general3A_410 {dimension_numbers = #tpu.dot_dimension_numbers<[1], [1], [0], [0], [0, 0, 1, 0], [], []>, transpose_lhs_hint = false} : vector<64x256xf32>, vector<128x256xf32>, vector<64x128xf32> -> vector<64x128xf32>
    %swap3A_412 = arith.constant 1344 : index
    %swap3A_413 = arith.constant 0 : index
    %swap3A_414 = vector.load %arg2[%swap3A_412, %swap3A_413] : memref<2048x128xf32, #tpu.memory_space<vmem>>, vector<64x128xf32>
    tpu.vector_store %arg2[%swap3A_412, %swap3A_413], %dot_general3A_411 {strides = array<i32>} : memref<2048x128xf32, #tpu.memory_space<vmem>>, vector<64x128xf32>,
    %get3A_415 = arith.constant 0 : index
    %get3A_416 = arith.constant 5632 : index
    %get3A_417 = vector.load %arg1[%get3A_415, %get3A_416] : memref<32x8192xf32, #tpu.memory_space<vmem>>, vector<32x256xf32>
    %mul3A_418 = arith.mulf %get3A_417, %convert_element_type3A_52 : vector<32x256xf32>
    %mul3A_419 = arith.mulf %get3A_417, %convert_element_type3A_79 : vector<32x256xf32>
    %mul3A_420 = arith.mulf %get3A_417, %convert_element_type3A_106 : vector<32x256xf32>
    %mul3A_421 = arith.mulf %get3A_417, %convert_element_type3A_133 : vector<32x256xf32>
    %concatenate3A_422 = tpu.concatenate %mul3A_418, %mul3A_419, %mul3A_420, %mul3A_421 in 0 : vector<32x256xf32>, vector<32x256xf32>, vector<32x256xf32>, vector<32x256xf32> -> vector<128x256xf32>
    %dot_general3A_423 = arith.constant dense<0.000000e+00> : vector<64x128xf32>
    %dot_general3A_424 = tpu.matmul %select_n3A_27, %concatenate3A_422, %dot_general3A_423 {dimension_numbers = #tpu.dot_dimension_numbers<[1], [1], [0], [0], [0, 0, 1, 0], [], []>, transpose_lhs_hint = false} : vector<64x256xf32>, vector<128x256xf32>, vector<64x128xf32> -> vector<64x128xf32>
    %swap3A_425 = arith.constant 1408 : index
    %swap3A_426 = arith.constant 0 : index
    %swap3A_427 = vector.load %arg2[%swap3A_425, %swap3A_426] : memref<2048x128xf32, #tpu.memory_space<vmem>>, vector<64x128xf32>
    tpu.vector_store %arg2[%swap3A_425, %swap3A_426], %dot_general3A_424 {strides = array<i32>} : memref<2048x128xf32, #tpu.memory_space<vmem>>, vector<64x128xf32>,
    %get3A_428 = arith.constant 0 : index
    %get3A_429 = arith.constant 5888 : index
    %get3A_430 = vector.load %arg1[%get3A_428, %get3A_429] : memref<32x8192xf32, #tpu.memory_space<vmem>>, vector<32x256xf32>
    %mul3A_431 = arith.mulf %get3A_430, %convert_element_type3A_52 : vector<32x256xf32>
    %mul3A_432 = arith.mulf %get3A_430, %convert_element_type3A_79 : vector<32x256xf32>
    %mul3A_433 = arith.mulf %get3A_430, %convert_element_type3A_106 : vector<32x256xf32>
    %mul3A_434 = arith.mulf %get3A_430, %convert_element_type3A_133 : vector<32x256xf32>
    %concatenate3A_435 = tpu.concatenate %mul3A_431, %mul3A_432, %mul3A_433, %mul3A_434 in 0 : vector<32x256xf32>, vector<32x256xf32>, vector<32x256xf32>, vector<32x256xf32> -> vector<128x256xf32>
    %dot_general3A_436 = arith.constant dense<0.000000e+00> : vector<64x128xf32>
    %dot_general3A_437 = tpu.matmul %select_n3A_27, %concatenate3A_435, %dot_general3A_436 {dimension_numbers = #tpu.dot_dimension_numbers<[1], [1], [0], [0], [0, 0, 1, 0], [], []>, transpose_lhs_hint = false} : vector<64x256xf32>, vector<128x256xf32>, vector<64x128xf32> -> vector<64x128xf32>
    %swap3A_438 = arith.constant 1472 : index
    %swap3A_439 = arith.constant 0 : index
    %swap3A_440 = vector.load %arg2[%swap3A_438, %swap3A_439] : memref<2048x128xf32, #tpu.memory_space<vmem>>, vector<64x128xf32>
    tpu.vector_store %arg2[%swap3A_438, %swap3A_439], %dot_general3A_437 {strides = array<i32>} : memref<2048x128xf32, #tpu.memory_space<vmem>>, vector<64x128xf32>,
    %get3A_441 = arith.constant 0 : index
    %get3A_442 = arith.constant 6144 : index
    %get3A_443 = vector.load %arg1[%get3A_441, %get3A_442] : memref<32x8192xf32, #tpu.memory_space<vmem>>, vector<32x256xf32>
    %mul3A_444 = arith.mulf %get3A_443, %convert_element_type3A_52 : vector<32x256xf32>
    %mul3A_445 = arith.mulf %get3A_443, %convert_element_type3A_79 : vector<32x256xf32>
    %mul3A_446 = arith.mulf %get3A_443, %convert_element_type3A_106 : vector<32x256xf32>
    %mul3A_447 = arith.mulf %get3A_443, %convert_element_type3A_133 : vector<32x256xf32>
    %concatenate3A_448 = tpu.concatenate %mul3A_444, %mul3A_445, %mul3A_446, %mul3A_447 in 0 : vector<32x256xf32>, vector<32x256xf32>, vector<32x256xf32>, vector<32x256xf32> -> vector<128x256xf32>
    %dot_general3A_449 = arith.constant dense<0.000000e+00> : vector<64x128xf32>
    %dot_general3A_450 = tpu.matmul %select_n3A_27, %concatenate3A_448, %dot_general3A_449 {dimension_numbers = #tpu.dot_dimension_numbers<[1], [1], [0], [0], [0, 0, 1, 0], [], []>, transpose_lhs_hint = false} : vector<64x256xf32>, vector<128x256xf32>, vector<64x128xf32> -> vector<64x128xf32>
    %swap3A_451 = arith.constant 1536 : index
    %swap3A_452 = arith.constant 0 : index
    %swap3A_453 = vector.load %arg2[%swap3A_451, %swap3A_452] : memref<2048x128xf32, #tpu.memory_space<vmem>>, vector<64x128xf32>
    tpu.vector_store %arg2[%swap3A_451, %swap3A_452], %dot_general3A_450 {strides = array<i32>} : memref<2048x128xf32, #tpu.memory_space<vmem>>, vector<64x128xf32>,
    %get3A_454 = arith.constant 0 : index
    %get3A_455 = arith.constant 6400 : index
    %get3A_456 = vector.load %arg1[%get3A_454, %get3A_455] : memref<32x8192xf32, #tpu.memory_space<vmem>>, vector<32x256xf32>
    %mul3A_457 = arith.mulf %get3A_456, %convert_element_type3A_52 : vector<32x256xf32>
    %mul3A_458 = arith.mulf %get3A_456, %convert_element_type3A_79 : vector<32x256xf32>
    %mul3A_459 = arith.mulf %get3A_456, %convert_element_type3A_106 : vector<32x256xf32>
    %mul3A_460 = arith.mulf %get3A_456, %convert_element_type3A_133 : vector<32x256xf32>
    %concatenate3A_461 = tpu.concatenate %mul3A_457, %mul3A_458, %mul3A_459, %mul3A_460 in 0 : vector<32x256xf32>, vector<32x256xf32>, vector<32x256xf32>, vector<32x256xf32> -> vector<128x256xf32>
    %dot_general3A_462 = arith.constant dense<0.000000e+00> : vector<64x128xf32>
    %dot_general3A_463 = tpu.matmul %select_n3A_27, %concatenate3A_461, %dot_general3A_462 {dimension_numbers = #tpu.dot_dimension_numbers<[1], [1], [0], [0], [0, 0, 1, 0], [], []>, transpose_lhs_hint = false} : vector<64x256xf32>, vector<128x256xf32>, vector<64x128xf32> -> vector<64x128xf32>
    %swap3A_464 = arith.constant 1600 : index
    %swap3A_465 = arith.constant 0 : index
    %swap3A_466 = vector.load %arg2[%swap3A_464, %swap3A_465] : memref<2048x128xf32, #tpu.memory_space<vmem>>, vector<64x128xf32>
    tpu.vector_store %arg2[%swap3A_464, %swap3A_465], %dot_general3A_463 {strides = array<i32>} : memref<2048x128xf32, #tpu.memory_space<vmem>>, vector<64x128xf32>,
    %get3A_467 = arith.constant 0 : index
    %get3A_468 = arith.constant 6656 : index
    %get3A_469 = vector.load %arg1[%get3A_467, %get3A_468] : memref<32x8192xf32, #tpu.memory_space<vmem>>, vector<32x256xf32>
    %mul3A_470 = arith.mulf %get3A_469, %convert_element_type3A_52 : vector<32x256xf32>
    %mul3A_471 = arith.mulf %get3A_469, %convert_element_type3A_79 : vector<32x256xf32>
    %mul3A_472 = arith.mulf %get3A_469, %convert_element_type3A_106 : vector<32x256xf32>
    %mul3A_473 = arith.mulf %get3A_469, %convert_element_type3A_133 : vector<32x256xf32>
    %concatenate3A_474 = tpu.concatenate %mul3A_470, %mul3A_471, %mul3A_472, %mul3A_473 in 0 : vector<32x256xf32>, vector<32x256xf32>, vector<32x256xf32>, vector<32x256xf32> -> vector<128x256xf32>
    %dot_general3A_475 = arith.constant dense<0.000000e+00> : vector<64x128xf32>
    %dot_general3A_476 = tpu.matmul %select_n3A_27, %concatenate3A_474, %dot_general3A_475 {dimension_numbers = #tpu.dot_dimension_numbers<[1], [1], [0], [0], [0, 0, 1, 0], [], []>, transpose_lhs_hint = false} : vector<64x256xf32>, vector<128x256xf32>, vector<64x128xf32> -> vector<64x128xf32>
    %swap3A_477 = arith.constant 1664 : index
    %swap3A_478 = arith.constant 0 : index
    %swap3A_479 = vector.load %arg2[%swap3A_477, %swap3A_478] : memref<2048x128xf32, #tpu.memory_space<vmem>>, vector<64x128xf32>
    tpu.vector_store %arg2[%swap3A_477, %swap3A_478], %dot_general3A_476 {strides = array<i32>} : memref<2048x128xf32, #tpu.memory_space<vmem>>, vector<64x128xf32>,
    %get3A_480 = arith.constant 0 : index
    %get3A_481 = arith.constant 6912 : index
    %get3A_482 = vector.load %arg1[%get3A_480, %get3A_481] : memref<32x8192xf32, #tpu.memory_space<vmem>>, vector<32x256xf32>
    %mul3A_483 = arith.mulf %get3A_482, %convert_element_type3A_52 : vector<32x256xf32>
    %mul3A_484 = arith.mulf %get3A_482, %convert_element_type3A_79 : vector<32x256xf32>
    %mul3A_485 = arith.mulf %get3A_482, %convert_element_type3A_106 : vector<32x256xf32>
    %mul3A_486 = arith.mulf %get3A_482, %convert_element_type3A_133 : vector<32x256xf32>
    %concatenate3A_487 = tpu.concatenate %mul3A_483, %mul3A_484, %mul3A_485, %mul3A_486 in 0 : vector<32x256xf32>, vector<32x256xf32>, vector<32x256xf32>, vector<32x256xf32> -> vector<128x256xf32>
    %dot_general3A_488 = arith.constant dense<0.000000e+00> : vector<64x128xf32>
    %dot_general3A_489 = tpu.matmul %select_n3A_27, %concatenate3A_487, %dot_general3A_488 {dimension_numbers = #tpu.dot_dimension_numbers<[1], [1], [0], [0], [0, 0, 1, 0], [], []>, transpose_lhs_hint = false} : vector<64x256xf32>, vector<128x256xf32>, vector<64x128xf32> -> vector<64x128xf32>
    %swap3A_490 = arith.constant 1728 : index
    %swap3A_491 = arith.constant 0 : index
    %swap3A_492 = vector.load %arg2[%swap3A_490, %swap3A_491] : memref<2048x128xf32, #tpu.memory_space<vmem>>, vector<64x128xf32>
    tpu.vector_store %arg2[%swap3A_490, %swap3A_491], %dot_general3A_489 {strides = array<i32>} : memref<2048x128xf32, #tpu.memory_space<vmem>>, vector<64x128xf32>,
    %get3A_493 = arith.constant 0 : index
    %get3A_494 = arith.constant 7168 : index
    %get3A_495 = vector.load %arg1[%get3A_493, %get3A_494] : memref<32x8192xf32, #tpu.memory_space<vmem>>, vector<32x256xf32>
    %mul3A_496 = arith.mulf %get3A_495, %convert_element_type3A_52 : vector<32x256xf32>
    %mul3A_497 = arith.mulf %get3A_495, %convert_element_type3A_79 : vector<32x256xf32>
    %mul3A_498 = arith.mulf %get3A_495, %convert_element_type3A_106 : vector<32x256xf32>
    %mul3A_499 = arith.mulf %get3A_495, %convert_element_type3A_133 : vector<32x256xf32>
    %concatenate3A_500 = tpu.concatenate %mul3A_496, %mul3A_497, %mul3A_498, %mul3A_499 in 0 : vector<32x256xf32>, vector<32x256xf32>, vector<32x256xf32>, vector<32x256xf32> -> vector<128x256xf32>
    %dot_general3A_501 = arith.constant dense<0.000000e+00> : vector<64x128xf32>
    %dot_general3A_502 = tpu.matmul %select_n3A_27, %concatenate3A_500, %dot_general3A_501 {dimension_numbers = #tpu.dot_dimension_numbers<[1], [1], [0], [0], [0, 0, 1, 0], [], []>, transpose_lhs_hint = false} : vector<64x256xf32>, vector<128x256xf32>, vector<64x128xf32> -> vector<64x128xf32>
    %swap3A_503 = arith.constant 1792 : index
    %swap3A_504 = arith.constant 0 : index
    %swap3A_505 = vector.load %arg2[%swap3A_503, %swap3A_504] : memref<2048x128xf32, #tpu.memory_space<vmem>>, vector<64x128xf32>
    tpu.vector_store %arg2[%swap3A_503, %swap3A_504], %dot_general3A_502 {strides = array<i32>} : memref<2048x128xf32, #tpu.memory_space<vmem>>, vector<64x128xf32>,
    %get3A_506 = arith.constant 0 : index
    %get3A_507 = arith.constant 7424 : index
    %get3A_508 = vector.load %arg1[%get3A_506, %get3A_507] : memref<32x8192xf32, #tpu.memory_space<vmem>>, vector<32x256xf32>
    %mul3A_509 = arith.mulf %get3A_508, %convert_element_type3A_52 : vector<32x256xf32>
    %mul3A_510 = arith.mulf %get3A_508, %convert_element_type3A_79 : vector<32x256xf32>
    %mul3A_511 = arith.mulf %get3A_508, %convert_element_type3A_106 : vector<32x256xf32>
    %mul3A_512 = arith.mulf %get3A_508, %convert_element_type3A_133 : vector<32x256xf32>
    %concatenate3A_513 = tpu.concatenate %mul3A_509, %mul3A_510, %mul3A_511, %mul3A_512 in 0 : vector<32x256xf32>, vector<32x256xf32>, vector<32x256xf32>, vector<32x256xf32> -> vector<128x256xf32>
    %dot_general3A_514 = arith.constant dense<0.000000e+00> : vector<64x128xf32>
    %dot_general3A_515 = tpu.matmul %select_n3A_27, %concatenate3A_513, %dot_general3A_514 {dimension_numbers = #tpu.dot_dimension_numbers<[1], [1], [0], [0], [0, 0, 1, 0], [], []>, transpose_lhs_hint = false} : vector<64x256xf32>, vector<128x256xf32>, vector<64x128xf32> -> vector<64x128xf32>
    %swap3A_516 = arith.constant 1856 : index
    %swap3A_517 = arith.constant 0 : index
    %swap3A_518 = vector.load %arg2[%swap3A_516, %swap3A_517] : memref<2048x128xf32, #tpu.memory_space<vmem>>, vector<64x128xf32>
    tpu.vector_store %arg2[%swap3A_516, %swap3A_517], %dot_general3A_515 {strides = array<i32>} : memref<2048x128xf32, #tpu.memory_space<vmem>>, vector<64x128xf32>,
    %get3A_519 = arith.constant 0 : index
    %get3A_520 = arith.constant 7680 : index
    %get3A_521 = vector.load %arg1[%get3A_519, %get3A_520] : memref<32x8192xf32, #tpu.memory_space<vmem>>, vector<32x256xf32>
    %mul3A_522 = arith.mulf %get3A_521, %convert_element_type3A_52 : vector<32x256xf32>
    %mul3A_523 = arith.mulf %get3A_521, %convert_element_type3A_79 : vector<32x256xf32>
    %mul3A_524 = arith.mulf %get3A_521, %convert_element_type3A_106 : vector<32x256xf32>
    %mul3A_525 = arith.mulf %get3A_521, %convert_element_type3A_133 : vector<32x256xf32>
    %concatenate3A_526 = tpu.concatenate %mul3A_522, %mul3A_523, %mul3A_524, %mul3A_525 in 0 : vector<32x256xf32>, vector<32x256xf32>, vector<32x256xf32>, vector<32x256xf32> -> vector<128x256xf32>
    %dot_general3A_527 = arith.constant dense<0.000000e+00> : vector<64x128xf32>
    %dot_general3A_528 = tpu.matmul %select_n3A_27, %concatenate3A_526, %dot_general3A_527 {dimension_numbers = #tpu.dot_dimension_numbers<[1], [1], [0], [0], [0, 0, 1, 0], [], []>, transpose_lhs_hint = false} : vector<64x256xf32>, vector<128x256xf32>, vector<64x128xf32> -> vector<64x128xf32>
    %swap3A_529 = arith.constant 1920 : index
    %swap3A_530 = arith.constant 0 : index
    %swap3A_531 = vector.load %arg2[%swap3A_529, %swap3A_530] : memref<2048x128xf32, #tpu.memory_space<vmem>>, vector<64x128xf32>
    tpu.vector_store %arg2[%swap3A_529, %swap3A_530], %dot_general3A_528 {strides = array<i32>} : memref<2048x128xf32, #tpu.memory_space<vmem>>, vector<64x128xf32>,
    %get3A_532 = arith.constant 0 : index
    %get3A_533 = arith.constant 7936 : index
    %get3A_534 = vector.load %arg1[%get3A_532, %get3A_533] : memref<32x8192xf32, #tpu.memory_space<vmem>>, vector<32x256xf32>
    %mul3A_535 = arith.mulf %get3A_534, %convert_element_type3A_52 : vector<32x256xf32>
    %mul3A_536 = arith.mulf %get3A_534, %convert_element_type3A_79 : vector<32x256xf32>
    %mul3A_537 = arith.mulf %get3A_534, %convert_element_type3A_106 : vector<32x256xf32>
    %mul3A_538 = arith.mulf %get3A_534, %convert_element_type3A_133 : vector<32x256xf32>
    %concatenate3A_539 = tpu.concatenate %mul3A_535, %mul3A_536, %mul3A_537, %mul3A_538 in 0 : vector<32x256xf32>, vector<32x256xf32>, vector<32x256xf32>, vector<32x256xf32> -> vector<128x256xf32>
    %dot_general3A_540 = arith.constant dense<0.000000e+00> : vector<64x128xf32>
    %dot_general3A_541 = tpu.matmul %select_n3A_27, %concatenate3A_539, %dot_general3A_540 {dimension_numbers = #tpu.dot_dimension_numbers<[1], [1], [0], [0], [0, 0, 1, 0], [], []>, transpose_lhs_hint = false} : vector<64x256xf32>, vector<128x256xf32>, vector<64x128xf32> -> vector<64x128xf32>
    %swap3A_542 = arith.constant 1984 : index
    %swap3A_543 = arith.constant 0 : index
    %swap3A_544 = vector.load %arg2[%swap3A_542, %swap3A_543] : memref<2048x128xf32, #tpu.memory_space<vmem>>, vector<64x128xf32>
    tpu.vector_store %arg2[%swap3A_542, %swap3A_543], %dot_general3A_541 {strides = array<i32>} : memref<2048x128xf32, #tpu.memory_space<vmem>>, vector<64x128xf32>,
    return
  }
  func.func @transform_0(%arg0: i32) -> (i32, i32) {
    %c0_i32 = arith.constant 0 : i32
    %c0_i32_0 = arith.constant 0 : i32
    return %c0_i32, %arg0 : i32, i32
  }
  func.func @transform_1(%arg0: i32) -> (i32, i32) {
    %c0_i32 = arith.constant 0 : i32
    %c0_i32_0 = arith.constant 0 : i32
    return %arg0, %c0_i32 : i32, i32
  }
}

module attributes {stable_mosaic.version = 14 : i64} {
  func.func @body(%arg0: i32, %arg1: i32, %arg2: memref<1024x128xf32, #tpu.memory_space<vmem>>, %arg3: memref<128x128xf32, #tpu.memory_space<vmem>>, %arg4: memref<128x128xf32, #tpu.memory_space<vmem>>, %arg5: memref<1x32x4096xf32, #tpu.memory_space<vmem>>) attributes {dimension_semantics = [#tpu.dimension_semantics<arbitrary>, #tpu.dimension_semantics<arbitrary>], iteration_bounds = array<i64: 26, 4>, scalar_prefetch = 0 : i64, scratch_operands = 0 : i64, tpu.core_type = #tpu.core_type<tc>, window_params = [{transform_indices = @transform_0, window_bounds = array<i64: 1024, 128>}, {pipeline_mode = #tpu.pipeline_mode<synchronous>, transform_indices = @transform_1, window_bounds = array<i64: 128, 128>}, {pipeline_mode = #tpu.pipeline_mode<synchronous>, transform_indices = @transform_2, window_bounds = array<i64: 128, 128>}, {transform_indices = @transform_3, window_bounds = array<i64: 1, 32, 4096>}]} {
    %get3A = arith.constant 0 : index
    %get3A_0 = arith.constant 0 : index
    %get3A_1 = vector.load %arg3[%get3A, %get3A_0] : memref<128x128xf32, #tpu.memory_space<vmem>>, vector<128x128xf32>
    %get3A_2 = arith.constant 0 : index
    %get3A_3 = arith.constant 0 : index
    %get3A_4 = vector.load %arg2[%get3A_2, %get3A_3] : memref<1024x128xf32, #tpu.memory_space<vmem>>, vector<1024x128xf32>
    %dot_general3A = arith.constant dense<0.000000e+00> : vector<128x1024xf32>
    %dot_general3A_5 = tpu.matmul %get3A_1, %get3A_4, %dot_general3A {dimension_numbers = #tpu.dot_dimension_numbers<[1], [1], [0], [0], [0, 0, 1, 0], [], []>, transpose_lhs_hint = false} : vector<128x128xf32>, vector<1024x128xf32>, vector<128x1024xf32> -> vector<128x1024xf32>
    %get3A_6 = arith.constant 0 : index
    %get3A_7 = arith.constant 0 : index
    %get3A_8 = vector.load %arg4[%get3A_6, %get3A_7] : memref<128x128xf32, #tpu.memory_space<vmem>>, vector<128x128xf32>
    %slice3A = vector.extract_strided_slice %get3A_8 {offsets = [0, 0], sizes = [128, 1], strides = [1, 1]} : vector<128x128xf32> to vector<128x1xf32>
    %add3A = vector.broadcast %slice3A : vector<128x1xf32> to vector<128x1024xf32>
    %add3A_9 = arith.addf %dot_general3A_5, %add3A : vector<128x1024xf32>
    %max3A = arith.constant 0.000000e+00 : f32
    %max3A_10 = vector.broadcast %max3A : f32 to vector<128x1024xf32>
    %max3A_11 = arith.maximumf %add3A_9, %max3A_10 : vector<128x1024xf32>
    %slice3A_12 = vector.extract_strided_slice %max3A_11 {offsets = [0, 0], sizes = [32, 1024], strides = [1, 1]} : vector<128x1024xf32> to vector<32x1024xf32>
    %swap3A = arith.constant 0 : index
    %swap3A_13 = arith.constant 0 : index
    %swap3A_14 = arith.constant 0 : index
    %swap3A_15 = vector.load %arg5[%swap3A, %swap3A_13, %swap3A_14] : memref<1x32x4096xf32, #tpu.memory_space<vmem>>, vector<1x32x1024xf32>
    %swap3A_16 = vector.shape_cast %swap3A_15 : vector<1x32x1024xf32> to vector<32x1024xf32>
    %swap3A_17 = vector.shape_cast %slice3A_12 : vector<32x1024xf32> to vector<1x32x1024xf32>
    tpu.vector_store %arg5[%swap3A, %swap3A_13, %swap3A_14], %swap3A_17 {strides = array<i32>} : memref<1x32x4096xf32, #tpu.memory_space<vmem>>, vector<1x32x1024xf32>,
    %slice3A_18 = vector.extract_strided_slice %max3A_11 {offsets = [32, 0], sizes = [32, 1024], strides = [1, 1]} : vector<128x1024xf32> to vector<32x1024xf32>
    %swap3A_19 = arith.constant 0 : index
    %swap3A_20 = arith.constant 0 : index
    %swap3A_21 = arith.constant 1024 : index
    %swap3A_22 = vector.load %arg5[%swap3A_19, %swap3A_20, %swap3A_21] : memref<1x32x4096xf32, #tpu.memory_space<vmem>>, vector<1x32x1024xf32>
    %swap3A_23 = vector.shape_cast %swap3A_22 : vector<1x32x1024xf32> to vector<32x1024xf32>
    %swap3A_24 = vector.shape_cast %slice3A_18 : vector<32x1024xf32> to vector<1x32x1024xf32>
    tpu.vector_store %arg5[%swap3A_19, %swap3A_20, %swap3A_21], %swap3A_24 {strides = array<i32>} : memref<1x32x4096xf32, #tpu.memory_space<vmem>>, vector<1x32x1024xf32>,
    %slice3A_25 = vector.extract_strided_slice %max3A_11 {offsets = [64, 0], sizes = [32, 1024], strides = [1, 1]} : vector<128x1024xf32> to vector<32x1024xf32>
    %swap3A_26 = arith.constant 0 : index
    %swap3A_27 = arith.constant 0 : index
    %swap3A_28 = arith.constant 2048 : index
    %swap3A_29 = vector.load %arg5[%swap3A_26, %swap3A_27, %swap3A_28] : memref<1x32x4096xf32, #tpu.memory_space<vmem>>, vector<1x32x1024xf32>
    %swap3A_30 = vector.shape_cast %swap3A_29 : vector<1x32x1024xf32> to vector<32x1024xf32>
    %swap3A_31 = vector.shape_cast %slice3A_25 : vector<32x1024xf32> to vector<1x32x1024xf32>
    tpu.vector_store %arg5[%swap3A_26, %swap3A_27, %swap3A_28], %swap3A_31 {strides = array<i32>} : memref<1x32x4096xf32, #tpu.memory_space<vmem>>, vector<1x32x1024xf32>,
    %slice3A_32 = vector.extract_strided_slice %max3A_11 {offsets = [96, 0], sizes = [32, 1024], strides = [1, 1]} : vector<128x1024xf32> to vector<32x1024xf32>
    %swap3A_33 = arith.constant 0 : index
    %swap3A_34 = arith.constant 0 : index
    %swap3A_35 = arith.constant 3072 : index
    %swap3A_36 = vector.load %arg5[%swap3A_33, %swap3A_34, %swap3A_35] : memref<1x32x4096xf32, #tpu.memory_space<vmem>>, vector<1x32x1024xf32>
    %swap3A_37 = vector.shape_cast %swap3A_36 : vector<1x32x1024xf32> to vector<32x1024xf32>
    %swap3A_38 = vector.shape_cast %slice3A_32 : vector<32x1024xf32> to vector<1x32x1024xf32>
    tpu.vector_store %arg5[%swap3A_33, %swap3A_34, %swap3A_35], %swap3A_38 {strides = array<i32>} : memref<1x32x4096xf32, #tpu.memory_space<vmem>>, vector<1x32x1024xf32>,
    return
  }
  func.func @transform_0(%arg0: i32, %arg1: i32) -> (i32, i32) {
    %mul3A = arith.constant 4 : i32
    %mul3A_0 = arith.muli %arg0, %mul3A : i32
    %add3A = arith.addi %mul3A_0, %arg1 : i32
    %c0_i32 = arith.constant 0 : i32
    %c0_i32_1 = arith.constant 0 : i32
    return %add3A, %c0_i32 : i32, i32
  }
  func.func @transform_1(%arg0: i32, %arg1: i32) -> (i32, i32) {
    %c0_i32 = arith.constant 0 : i32
    %c0_i32_0 = arith.constant 0 : i32
    %c0_i32_1 = arith.constant 0 : i32
    return %c0_i32, %c0_i32_0 : i32, i32
  }
  func.func @transform_2(%arg0: i32, %arg1: i32) -> (i32, i32) {
    %c0_i32 = arith.constant 0 : i32
    %c0_i32_0 = arith.constant 0 : i32
    %c0_i32_1 = arith.constant 0 : i32
    return %c0_i32, %c0_i32_0 : i32, i32
  }
  func.func @transform_3(%arg0: i32, %arg1: i32) -> (i32, i32, i32) {
    %c0_i32 = arith.constant 0 : i32
    %c0_i32_0 = arith.constant 0 : i32
    return %arg0, %c0_i32, %arg1 : i32, i32, i32
  }
}

</mosaic_0001>

<sc_bundles>
// kernel: kernel.5.cloned.1.call-start
scs
__scs_entry_jumppad:
0x0: {  	(pc) =	sbr.rel $0x88, $3  }
0x1: {  	(tag) =	ssettag $0x0;
	lr =	simm.s32 $0x1  }
0x2: {  	[smem:$0x3F9D] =	sst lr;
	_ =	strace $0xD0000000  }
0x3: {  	_ = 	snop  }
0x4: {  	_ = 	snop  }
0x5: {  	_ = 	snop  }
0x6: {  	_ = 	snop  }
0x7: {  	_ = 	snop  }
__scs_overlays_trampoline_lowered:
0x8: {  	[smem:$0x3FAC] =	sst s0  }
0x9: {  	[smem:$0x3FAD] =	sst s1  }
0xa: {  	[smem:$0x3FAE] =	sst s2  }
0xb: {  	[smem:$0x3FAF] =	sst s3  }
0xc: {  	[smem:$0x3FB0] =	sst s4  }
0xd: {  	[smem:$0x3FB1] =	sst s5  }
0xe: {  	[smem:$0x3FB2] =	sst s6  }
0xf: {  	[smem:$0x3FB3] =	sst s7  }
0x10: {  	[smem:$0x3FB4] =	sst s8  }
0x11: {  	[smem:$0x3FB5] =	sst s9;
	s0 =	simm.s32 @!p0 $0x0  }
0x12: {  	s1 =	sld [smem:$0x3F9B];
	s0 =	simm.s32 @p0 $0x1  }
0x13: {  	[smem:$0x3FB6] =	sst s0;
	s0 =	simm.s32 @!p1 $0x0  }
0x14: {  	s2 =	sld [smem:$0x3F9A];
	s0 =	simm.s32 @p1 $0x1  }
0x15: {  	[smem:$0x3FB7] =	sst s0;
	s0 =	simm.s32 @!p2 $0x0  }
0x16: {  	s3 =	sld [smem:$0x3FDB];
	s0 =	simm.s32 @p2 $0x1  }
0x17: {  	s4 =	simm.s32 $0x1BF5;
	[smem:$0x3FB9] =	sst s0  }
0x18: {  	s0 =	sld [smem:$0x3F9C];
	_ =	swait.ge [sflag:s4], $0x0  }
0x19: {  	s7 =	sld [smem:$0x3F9D]  }
0x1a: {  	s8 =	sadd.s32 $0xFFFFE003, lr  }
0x1b: {  	s9 =	sadd.s32 $0xFFFFFEF7, lr;
	s5 =	simm.s32 $0xFFFFFFFF;
	p2 =	slt.u32 s8, $0xFFFFF086  }
0x1c: {  	p1 =	slt.u32 s9, $0xF7A;
	s5 =	simm.s32 @!p2 $0x0  }
0x1d: {  	s5 =	simm.s32 @p1 $0x1;
	p0 =	seq.s32 s7, s2  }
0x1e: {  	s7 =	smul.u32 @!p0 $0xF7A, s2;
	p2 =	seq.s32 @!p0 s5, $0x0  }
0x1f: {  	s9 =	smul.u32 $0xF7A, s1;
	s8 =	simm.s32 @!p0 $0x1BF5;
	p2 =	por !p2, p0  }
0x20: {  	[sflag:s8] =	ssyncset.s32 @!p0 $0xFFFFF086;
	s6 =	sadd.s32 @!p0 s3, s7;
	s7 =	simm.s32 @!p0 $0x108  }
0x21: {  	s3 =	sadd.s32 s3, s9;
	s6 =	sadd.s32 @!p0 $0x88, s6;
	s7 =	simm.s32 @p2 $0x1082  }
0x22: {  	[simem:s7], [sflag:s8] =	dma.local @!p0 [hbm:s6], $0xF7A  }
0x23: {  	s9 =	sor.u32 $0xD0000000, s2;
	s6 =	simm.s32 $0x108;
	_ =	swait.ge @!p0 [sflag:s8], $0x0  }
0x24: {  	s3 =	sadd.s32 $0x88, s3;
	s6 =	simm.s32 @!p1 $0x1082;
	[sflag:s4] =	ssyncset.s32 $0xFFFFF086  }
0x25: {  	[simem:s6], [sflag:s4] =	dma.local [hbm:s3], $0xF7A  }
0x26: {  	[smem:$0x3F9D] =	sst s1;
	(tag) =	ssettag s2;
	_ =	strace s9  }
0x27: {  	s1 =	sld [smem:$0x3FAD]  }
0x28: {  	s2 =	sld [smem:$0x3FAE]  }
0x29: {  	s4 =	sld [smem:$0x3FB0]  }
0x2a: {  	p0 =	seq.s32 s5, $0x0;
	s5 =	sld [smem:$0x3FB1]  }
0x2b: {  	s6 =	sld [smem:$0x3FB2]  }
0x2c: {  	s7 =	sld [smem:$0x3FB3]  }
0x2d: {  	s3 =	simm.s32 $0x108;
	s8 =	sld [smem:$0x3FB4]  }
0x2e: {  	s3 =	simm.s32 @!p0 $0x1082;
	s9 =	sld [smem:$0x3FB5]  }
0x2f: {  	lr =	sadd.s32 s0, s3;
	s0 =	sld [smem:$0x3FAC]  }
0x30: {  	s3 =	sld [smem:$0x3FAF]  }
0x31: {  	[smem:$0x3FB8] =	sst s10  }
0x32: {  	s10 =	sld [smem:$0x3FB6];
	_ =	sdelay $0x3  }
0x33: {  	p0 =	seq.s32 s10, $0x1;
	s10 =	sld [smem:$0x3FB8];
	_ =	sdelay $0x3  }
0x34: {  	[smem:$0x3FB8] =	sst s10  }
0x35: {  	s10 =	sld [smem:$0x3FB7];
	_ =	sdelay $0x3  }
0x36: {  	p1 =	seq.s32 s10, $0x1;
	s10 =	sld [smem:$0x3FB8];
	_ =	sdelay $0x3  }
0x37: {  	[smem:$0x3FB8] =	sst s10  }
0x38: {  	s10 =	sld [smem:$0x3FB9]  }
0x39: {  	_ = 	snop;
	(pc) =	sbr.ind lr, $3  }
0x3a: {  	_ = 	snop  }
0x3b: {  	_ = 	snop  }
0x3c: {  	p2 =	seq.s32 s10, $0x1;
	s10 =	sld [smem:$0x3FB8]  }
0x3d: {  	_ =	shalt  }
0x3e: {  	_ =	shalt  }
0x3f: {  	_ =	shalt  }
0x40: {  	_ =	shalt  }
0x41: {  	_ =	shalt  }
0x42: {  	_ =	shalt  }
0x43: {  	_ =	shalt  }
0x44: {  	_ =	shalt  }
0x45: {  	_ =	shalt  }
0x46: {  	_ =	shalt  }
0x47: {  	_ =	shalt  }
0x48: {  	_ =	shalt  }
0x49: {  	_ =	shalt  }
0x4a: {  	_ =	shalt  }
0x4b: {  	_ =	shalt  }
0x4c: {  	_ =	shalt  }
0x4d: {  	_ =	shalt  }
0x4e: {  	_ =	shalt  }
0x4f: {  	_ =	shalt  }
0x50: {  	_ =	shalt  }
0x51: {  	_ =	shalt  }
0x52: {  	_ =	shalt  }
0x53: {  	_ =	shalt  }
0x54: {  	_ =	shalt  }
0x55: {  	_ =	shalt  }
0x56: {  	_ =	shalt  }
0x57: {  	_ =	shalt  }
0x58: {  	_ =	shalt  }
0x59: {  	_ =	shalt  }
0x5a: {  	_ =	shalt  }
0x5b: {  	_ =	shalt  }
0x5c: {  	_ =	shalt  }
0x5d: {  	_ =	shalt  }
0x5e: {  	_ =	shalt  }
0x5f: {  	_ =	shalt  }
0x60: {  	_ =	shalt  }
0x61: {  	_ =	shalt  }
0x62: {  	_ =	shalt  }
0x63: {  	_ =	shalt  }
0x64: {  	_ =	shalt  }
0x65: {  	_ =	shalt  }
0x66: {  	_ =	shalt  }
0x67: {  	_ =	shalt  }
0x68: {  	_ =	shalt  }
0x69: {  	_ =	shalt  }
0x6a: {  	_ =	shalt  }
0x6b: {  	_ =	shalt  }
0x6c: {  	_ =	shalt  }
0x6d: {  	_ =	shalt  }
0x6e: {  	_ =	shalt  }
0x6f: {  	_ =	shalt  }
0x70: {  	_ =	shalt  }
0x71: {  	_ =	shalt  }
0x72: {  	_ =	shalt  }
0x73: {  	_ =	shalt  }
0x74: {  	_ =	shalt  }
0x75: {  	_ =	shalt  }
0x76: {  	_ =	shalt  }
0x77: {  	_ =	shalt  }
0x78: {  	_ =	shalt  }
0x79: {  	_ =	shalt  }
0x7a: {  	_ =	shalt  }
0x7b: {  	_ =	shalt  }
0x7c: {  	_ =	shalt  }
0x7d: {  	_ =	shalt  }
0x7e: {  	_ =	shalt  }
0x7f: {  	_ =	shalt  }
0x80: {  	_ =	shalt  }
0x81: {  	_ =	shalt  }
0x82: {  	_ =	shalt  }
0x83: {  	_ =	shalt  }
0x84: {  	_ =	shalt  }
0x85: {  	_ =	shalt  }
0x86: {  	_ =	shalt  }
0x87: {  	_ =	shalt  }
.Lfunc_end0:
.L_simem_size_0:
called_computation_lowered:
.L_overlay_start_0:
0x88: {  	s2 =	sld [smem:$0x3FD9]  }
0x89: {  	s3 =	sld [smem:$0x3FFE];
	_ =	sdelay $0x1  }
0x8a: {  	s1 =	srdreg.scid  }
0x8b: {  	s0 =	sand.u32 $0x1, s1  }
0x8c: {  	s16 =	sshll.u32 s0, $0xA;
	s2 =	sadd.s32 s3, s2  }
0x8d: {  	s2 =	sadd.s32 s2, s16  }
0x8e: {  	[smem:$0x3FC4] =	sst s2  }
0x8f: {  	_ = 	snop  }
0x90: {  	(tm) =	ssettm $0x1  }
0x91: {  	s17 =	sld [smem:$0x3FFB];
	_ =	sdelay $0x3  }
0x92: {  	_ =	strace s17  }
0x93: {  	s2 =	sld [smem:$0x3FFC];
	_ =	sdelay $0x3  }
0x94: {  	_ =	strace s2  }
0x95: {  	s2 =	sld [smem:$0x3FFD];
	_ =	sdelay $0x3  }
0x96: {  	_ =	strace s2  }
0x97: {  	_ =	strace $0x8FFFFFFF  }
0x98: {  	s18 =	sld [smem:$0x3FDB];
	_ =	sdelay $0x1  }
0x99: {  	s19 =	simm.s32 $_scs_section_size  }
0x9a: {  	s4 =	simm.s32 $_size__tile_overlayer_lowered;
	s5 =	simm.s32 $_tile_overlayer_lowered  }
0x9b: {  	s22 =	simm.s32 $0x1BFF;
	s21 =	sshll.u32 s5, $0x1;
	s2 =	sadd.s32 s19, s18  }
0x9c: {  	s6 =	simm.s32 $0x0;
	s20 =	sshll.u32 s4, $0x1;
	s4 =	sadd.s32 s21, s2  }
0x9d: {  	[timem:s6], [sflag:s22] =	dma.local [hbm:s4], s20  }
0x9e: {  	_ =	swait.ge [sflag:s22], s20  }
0x9f: {  	s3 =	ssub.s32 $0x0, s20;
	[sflag:s22] =	ssyncset.done $0x0  }
0xa0: {  	[sflag:s22] =	ssyncadd.s32 s3;
	_ =	sdelay $0x1  }
0xa1: {  	s23 =	simm.s32 $0x1B8B  }
0xa2: {  	_ =	swait.ge [sflag:s23], $0x1  }
0xa3: {  	[sflag:s23] =	ssyncset.done $0x0  }
0xa4: {  	s25 =	simm.s32 $0x1B8E;
	s24 =	sld [smem:$0x3FFE];
	[sflag:s23] =	ssyncadd.s32 $0xFFFFFFFF  }
0xa5: {  	s26 =	simm.s32 $execute0_lowered;
	[smem:$0x3FD2] =	sst s25  }
0xa6: {  	s4 =	sshll.u32 s26, $0x1;
	_ =	strace $0x80000046;
	[dreg:$0x1] =	wrdreg $0xFFFFFFFF  }
0xa7: {  	s28 =	simm.s32 $_size_execute0_lowered;
	s2 =	sadd.s32 s2, s4;
	[dreg:$0x0] =	wrdreg $0x0  }
0xa8: {  	s4 =	sshll.u32 s28, $0x1;
	[dreg:$0x2] =	wrdreg s2  }
0xa9: {  	[dreg:$0x3] =	wrdreg s4  }
0xaa: {  	[dreg:$0x4] =	wrdreg $0xC0  }
0xab: {  	_ =	task [dreg:s6], $0x5FFFF  }
0xac: {  	[dreg:$0x1] =	wrdreg $0xFFFFFFFF  }
0xad: {  	[dreg:$0x0] =	wrdreg $0x60  }
0xae: {  	[dreg:$0x2] =	wrdreg s24  }
0xaf: {  	[dreg:$0x3] =	wrdreg $0x9  }
0xb0: {  	_ =	task.clear_ibuf [dreg:s6], $0x4FFFF;
	_ =	strace $0x90000046  }
0xb1: {  	s29 =	simm.s32 $0x9;
	_ =	strace $0x80000048  }
0xb2: {  	_ =	swait.ge [sflag:s29], $0x1  }
0xb3: {  	[sflag:s29] =	ssyncadd.s32 $0xFFFFFFFF  }
0xb4: {  	_ =	strace $0x90000048  }
0xb5: {  	_ =	sfence  }
0xb6: {  	s30 =	sld [smem:$0x0];
	_ =	sdelay $0x2  }
0xb7: {  	s31 =	sshll.u32 s1, $0xD;
	s1 =	sshrl.u32 s1, $0x2  }
0xb8: {  	s3 =	sand.u32 $0x4000, s31;
	s1 =	sadd.s32 s1, s30  }
0xb9: {  	s0 =	sor.u32 s3, s0;
	s1 =	sshll.u32 s1, $0x11  }
0xba: {  	s0 =	sor.u32 s1, s0  }
0xbb: {  	s0 =	sadd.s32 $0x8F2B, s0  }
0xbc: {  	[sflag:s0] =	ssyncadd.remote.s32 $0x1  }
0xbd: {  	_ =	sfence.sel $0xFFFF  }
0xbe: {  	[dreg:$0x0] =	wrdreg $0xFFFFFFFF;
	(pc) =	sbr.abs _section_cstart, $3  }
0xbf: {  	[dreg:$0x1] =	wrdreg $0xFFFFFFFF  }
0xc0: {  	_ =	task.clear_ibuf [dreg:s6], $0x2FFFF;
	_ =	strace $0x9FFFFFFF  }
0xc1: {  	(tm) =	ssettm $0x7FFFFFFF  }
tec
execute0_lowered:
.L_overlay_start_1:
0x0: {  	(tag) =	ssettag $0x1  }
0x1: {  	s1 =	srdreg.scid  }
0x2: {  	s0 =	stileid.u32;
	s10 =	rddreg [dreg:$0x0];
	s2 =	simm.s32 $0x0  }
0x3: {  	s13 =	simm.s32 $0x80;
	s14 =	simm.s32 $0x3400;
	s15 =	simm.s32 $0x4400  }
0x4: {  	s16 =	simm.s32 $0x1;
	s17 =	simm.s32 $0x100;
	s18 =	simm.s32 $0x2  }
0x5: {  	s19 =	simm.s32 $0x4;
	s20 =	simm.s32 $0x3;
	s21 =	simm.s32 $0x0  }
0x6: {  	s7 =	sand.u32 $0x1, s1;
	s3 =	sshll.u32 s0, $0x1;
	s1 =	rddreg [dreg:$0x1]  }
0x7: {  	[smem:$0x7FF] =	sst s2;
	s11 =	smul.u32 $0x1A000, s0;
	s4 =	sor.u32 s7, s3  }
0x8: {  	_ =	strace $0x80000047;
	s6 =	ssub.s32 $0x2, s7;
	s12 =	smul.u32 $0xD000, s7  }
0x9: {  	s3 =	sadd.s32 $0xA00, s10;
	s5 =	smul.u32 $0x680, s4;
	s8 =	sshrl.u32 s6, $0x1  }
0xa: {  	s9 =	smul.u32 $0xD000, s4;
	s4 =	sadd.s32 $0x3DE400, s10;
	s8 =	ssub.s32 s6, s8  }
0xb: {  	s11 =	sadd.s32 s12, s11;
	s12 =	simm.s32 $0x5;
	s5 =	sadd.s32 s5, s10  }
0xc: {  	s6 =	sadd.s32 s4, s9;
	s7 =	smax.u32 s8, $0x1;
	s10 =	sadd.s32 $0x3DE800, s10  }
0xd: {  	s5 =	sadd.s32 $0x3D1400, s5;
	s8 =	sadd.s32 $0xCE00, s6;
	s9 =	sadd.s32 $0x200, s6  }
.LBB2_1:
0xe: {  	[tilespmem:s2], [sflag:$0x5] =	stream.linear.gather [hbm4b:s5+s2], $0x3400, $0x38;
	[tilespmem:$0x5400] =	vst v63  }
0xf: {  	_ =	swait.ge [sflag:s12], $0x3400  }
0x10: {  	[sflag:s12] =	ssyncset.done $0x0  }
0x11: {  	[sflag:s12] =	ssyncadd.s32 $0xFFFFCC00  }
0x12: {  	[tilespmem:s14], [sflag:$0x1] =	stream.indirect.gather [hbm4b:s3+s13], $0x20, s2, s13, $0xb8;
	[tilespmem:$0x5400] =	vst v63  }
0x13: {  	_ = 	snop  }
0x14: {  	[tilespmem:s15], [sflag:$0x2] =	stream.indirect.gather [hbm4b:s3+s13], $0x20, s13, s13, $0xb8;
	[tilespmem:$0x5400] =	vst v63  }
0x15: {  	_ =	swait.ge [sflag:s16], $0x1000  }
0x16: {  	[sflag:s16] =	ssyncset.done $0x0  }
0x17: {  	[sflag:s16] =	ssyncadd.s32 $0xFFFFF000  }
0x18: {  	[hbm4b:s6+s2] =	stream.linear.scatter [tilespmem:s14], [sflag:$0x3], $0x1000, $0x38;
	[tilespmem:$0x5400] =	vst v63  }
0x19: {  	_ = 	snop  }
0x1a: {  	[tilespmem:s14], [sflag:$0x1] =	stream.indirect.gather [hbm4b:s3+s13], $0x20, s17, s13, $0xb8;
	[tilespmem:$0x5400] =	vst v63  }
0x1b: {  	_ =	swait.ge [sflag:s18], $0x1000  }
0x1c: {  	s22 =	simm.s32 $0x180;
	[sflag:s18] =	ssyncset.done $0x0  }
0x1d: {  	s23 =	simm.s32 $0x3;
	s24 =	smov.u32 s11;
	[sflag:s18] =	ssyncadd.s32 $0xFFFFF000  }
0x1e: {  	[hbm4b:s9+s2] =	stream.linear.scatter [tilespmem:s15], [sflag:$0x4], $0x1000, $0x38;
	[tilespmem:$0x5400] =	vst v63  }
.LBB2_2:
0x1f: {  	s25 =	sand.u32 $0x1, s23  }
0x20: {  	p0 =	seq.s32 s25, $0x1  }
0x21: {  	s25 =	simm.s32 @p0 $0x80;
	s26 =	simm.s32 @p0 $0x4400  }
0x22: {  	[tilespmem:s26], [sflag:$0x2] =	stream.indirect.gather @p0 [hbm4b:s3+s25], $0x20, s22, s25, $0xb8;
	[tilespmem:$0x5400] =	vst v63  }
0x23: {  	s25 =	sadd.s32 $0xFFFFFFFF, s23  }
0x24: {  	s28 =	simm.s32 @!p0 $0x3400;
	s26 =	simm.s32 @!p0 $0x80;
	s31 =	sand.u32 $0x1, s25  }
0x25: {  	[tilespmem:s28], [sflag:$0x1] =	stream.indirect.gather @!p0 [hbm4b:s3+s26], $0x20, s22, s26, $0xb8;
	[tilespmem:$0x5400] =	vst v63  }
0x26: {  	p0 =	seq.s32 s31, $0x1  }
0x27: {  	s26 =	simm.s32 @!p0 $0x1  }
0x28: {  	_ =	swait.ge @!p0 [sflag:s26], $0x1000  }
0x29: {  	[sflag:s26] =	ssyncset.done @!p0 $0x0  }
0x2a: {  	[sflag:s26] =	ssyncadd.s32 @!p0 $0xFFFFF000;
	s26 =	simm.s32 @!p0 $0x3  }
0x2b: {  	_ =	swait.ge @!p0 [sflag:s26], $0x1000  }
0x2c: {  	s28 =	sadd.s32 @!p0 $0x400, s24;
	s29 =	simm.s32 @!p0 $0x3400;
	[sflag:s26] =	ssyncset.done @!p0 $0x0  }
0x2d: {  	s25 =	sand.u32 @!p0 $0x1, s25;
	[sflag:s26] =	ssyncadd.s32 @!p0 $0xFFFFF000;
	s26 =	sand.u32 @!p0 $0x1FFFFC00, s28  }
0x2e: {  	p1 =	seq.s32 @!p0 s25, $0x0;
	s28 =	simm.s32 @!p0 $0x0;
	s26 =	sadd.s32 @!p0 s4, s26  }
0x2f: {  	[hbm4b:s26+s28] =	stream.linear.scatter @!p0 [tilespmem:s29], [sflag:$0x3], $0x1000, $0x38;
	[tilespmem:$0x5400] =	vst v63  }
0x30: {  	p0 =	por p0, !p1  }
0x31: {  	_ =	swait.ge @p0 [sflag:s18], $0x1000  }
0x32: {  	[sflag:s18] =	ssyncset.done @p0 $0x0  }
0x33: {  	[sflag:s18] =	ssyncadd.s32 @p0 $0xFFFFF000  }
0x34: {  	_ =	swait.ge @p0 [sflag:s19], $0x1000  }
0x35: {  	[sflag:s19] =	ssyncset.done @p0 $0x0  }
0x36: {  	s23 =	sadd.s32 $0x1, s23;
	s25 =	sadd.s32 @p0 s24, s10;
	[sflag:s19] =	ssyncadd.s32 @p0 $0xFFFFF000  }
0x37: {  	[hbm4b:s25+s2] =	stream.linear.scatter @p0 [tilespmem:s15], [sflag:$0x4], $0x1000, $0x38;
	[tilespmem:$0x5400] =	vst v63  }
0x38: {  	p0 =	sne.s32 s23, $0x68  }
.Ltmp0:
0x39: {  	_ = 	snop;
	(pc) =	sbr.rel @p0 .LBB2_2-.Ltmp0, $2  }
0x3a: {  	_ =	sdelay $0x2  }
0x3b: {  	s22 =	sadd.s32 $0x80, s22;
	s24 =	sadd.s32 $0x200, s24  }
0x3c: {  	_ =	swait.ge [sflag:s18], $0x1000  }
0x3d: {  	[sflag:s18] =	ssyncset.done $0x0  }
0x3e: {  	[sflag:s18] =	ssyncadd.s32 $0xFFFFF000  }
0x3f: {  	_ =	swait.ge [sflag:s19], $0x1000  }
0x40: {  	[sflag:s19] =	ssyncset.done $0x0  }
0x41: {  	s21 =	sadd.s32 $0x1, s21;
	[sflag:s19] =	ssyncadd.s32 $0xFFFFF000  }
0x42: {  	[hbm4b:s8+s2] =	stream.linear.scatter [tilespmem:s15], [sflag:$0x4], $0x1000, $0x38;
	[tilespmem:$0x5400] =	vst v63  }
0x43: {  	p0 =	sne.s32 s21, s7;
	_ =	swait.ge [sflag:s20], $0x1000  }
.Ltmp1:
0x44: {  	[sflag:s20] =	ssyncset.done $0x0;
	(pc) =	sbr.rel @p0 .LBB2_1-.Ltmp1, $4  }
0x45: {  	[sflag:s20] =	ssyncadd.s32 $0xFFFFF000  }
0x46: {  	_ =	swait.ge [sflag:s19], $0x1000  }
0x47: {  	[sflag:s19] =	ssyncset.done $0x0  }
0x48: {  	[sflag:s19] =	ssyncadd.s32 $0xFFFFF000  }
0x49: {  	_ =	sfence.sel $0x180000  }
0x4a: {  	[bflag:$0x0] =	sbarrier.arrive $0xFFFF  }
0x4b: {  	p0 =	sne.s32 s0, $0x0;
	_ =	strace $0x90000047  }
0x4c: {  	s0 =	sadd.s32 @!p0 $0x100000, s1;
	[bflag:$0x2] =	sbarrier.arrive $0xFFFF  }
0x4d: {  	[sflag:s0] =	ssyncadd.tile.s32 @!p0 $0x1;
	_ =	shalt  }
.Lfunc_end2:
_tile_overlayer_lowered:
.L_overlay_start_2:
0x4e: {  	(tag) =	ssettag $0x2  }
0x4f: {  	s0 =	rddreg [dreg:$0x0];
	s2 =	stileid.u32  }
0x50: {  	s1 =	rddreg [dreg:$0x1];
	p0 =	sne.s32 s2, $0x0  }
0x51: {  	s3 =	rddreg [dreg:$0x2];
	[bflag:$0x3] =	sbarrier.arrive $0xFFFF;
	s2 =	simm.s32 @!p0 $0x1C05  }
0x52: {  	[timem:s3], [sflag:s2] =	dma.local @!p0 [hbm:s0], s1  }
0x53: {  	s0 =	simm.s32 @!p0 $0x5  }
0x54: {  	_ =	swait.ge @!p0 [sflag:s0], s1  }
0x55: {  	s1 =	ssub.s32 @!p0 $0x0, s1;
	[sflag:s0] =	ssyncset.done @!p0 $0x0  }
0x56: {  	[sflag:s0] =	ssyncadd.s32 @!p0 s1  }
0x57: {  	[bflag:$0x3] =	sbarrier.arrive $0xFFFF  }
0x58: {  	_ =	shalt  }

</sc_bundles>
